<compile_context>
chip_gen: v7x
topology: tpu7x:2x2x1
jax: 0.10.2.dev20260603
libtpu: 0.0.44.dev20260713+nightly
codegen_flags: <defaults>
</compile_context>

<pallas_src>
import functools
import math

import jax
import jax.numpy as jnp
from jax.experimental import pallas as pl
from jax.experimental.pallas import tpu as pltpu
from jax.experimental.pallas import tpu_sc as plsc

Q_NUM = 50
MAX_CHOICES = 8
HEADS = 8
N_ANN = 100
EMB_DIM = 128
SENT_DIM = 384
FEAT_DIM = EMB_DIM + MAX_CHOICES + SENT_DIM
D_FF = 4 * FEAT_DIM
B, S = 16, 512
DH = FEAT_DIM // HEADS
HP = 128
HDIM = HEADS * HP
HALF = FEAT_DIM // 2
F32 = jnp.float32


BF16 = jnp.bfloat16


def _dot(a, b, dims):
    return jax.lax.dot_general(a.astype(BF16), b.astype(BF16),
                               (dims, ((), ())),
                               preferred_element_type=F32,
                               precision=jax.lax.Precision.DEFAULT)


def _ln(z, a, b):
    m = jnp.mean(z, axis=1, keepdims=True)
    d = z - m
    var = jnp.sum(d * d, axis=1, keepdims=True) / (FEAT_DIM - 1)
    return a * d / (jnp.sqrt(var) + 1e-6) + b



_NC, _NS = 2, 16
_NW = _NC * _NS
_BS = B * S
_PER_W = _BS // _NW


def _sc_gather_call(qidx, aidx, qtab, atab):
    mesh = plsc.VectorSubcoreMesh(core_axis_name="c", subcore_axis_name="s")

    @functools.partial(
        pl.kernel,
        mesh=mesh,
        out_type=[jax.ShapeDtypeStruct((_BS, EMB_DIM), F32)],
        scratch_types=[
            pltpu.VMEM((_PER_W,), jnp.int32),
            pltpu.VMEM((_PER_W,), jnp.int32),
            pltpu.VMEM((_PER_W, EMB_DIM), F32),
            pltpu.VMEM((_PER_W, EMB_DIM), F32),
            pltpu.SemaphoreType.DMA,
            pltpu.SemaphoreType.DMA,
        ],
    )
    def k(qidx_hbm, aidx_hbm, qtab_hbm, atab_hbm, out_hbm,
          qidx_v, aidx_v, qrows_v, arows_v, qsem, asem):
        wid = jax.lax.axis_index("s") * _NC + jax.lax.axis_index("c")
        base = wid * _PER_W
        pltpu.sync_copy(qidx_hbm.at[pl.ds(base, _PER_W)], qidx_v)
        pltpu.sync_copy(aidx_hbm.at[pl.ds(base, _PER_W)], aidx_v)
        cq = pltpu.async_copy(qtab_hbm.at[qidx_v], qrows_v, qsem)
        ca = pltpu.async_copy(atab_hbm.at[aidx_v], arows_v, asem)
        cq.wait()
        ca.wait()

        nchunk = EMB_DIM // 16

        def add_chunk(i, carry):
            r = i // nchunk
            c = (i % nchunk) * 16
            qrows_v[r, pl.ds(c, 16)] = (qrows_v[r, pl.ds(c, 16)] +
                                        arows_v[r, pl.ds(c, 16)])
            return carry

        jax.lax.fori_loop(0, _PER_W * nchunk, add_chunk, 0)
        pltpu.sync_copy(qrows_v, out_hbm.at[pl.ds(base, _PER_W)])

    return k(qidx, aidx, qtab, atab)[0]



def _layer_body(fx_ref, px_ref, qcol_ref, qrow_ref,
                wqkv_ref, bqkv_ref,
                ow_ref, ob_ref, n1a_ref, n1b_ref,
                f1w_ref, f1b_ref, f2w_ref, f2b_ref, n2a_ref, n2b_ref,
                puf_ref, pup_ref, pub_ref,
                s1w_ref, s1b_ref, s2w_ref, s2b_ref,
                c1w_ref, c1b_ref, c2w_ref, c2b_ref,
                fxo_ref, pxo_ref):
    fx = fx_ref[...]
    px = px_ref[...]

    qkv = _dot(fx, wqkv_ref[...], ((1,), (1,))) + bqkv_ref[0:1, :]
    q = qkv[:, :HDIM]
    k = qkv[:, HDIM:2 * HDIM]
    v = qkv[:, 2 * HDIM:]
    scale = 1.0 / math.sqrt(DH)
    outs = []
    for h in range(HEADS):
        sl = slice(h * HP, (h + 1) * HP)
        sc = _dot(q[:, sl], k[:, sl], ((1,), (1,))) * scale
        e = jnp.exp(sc)
        attn = e / jnp.sum(e, axis=1, keepdims=True)
        outs.append(_dot(attn, v[:, sl], ((1,), (0,))))
    out_all = jnp.concatenate(outs, axis=1)
    attn_out = _dot(out_all, ow_ref[...], ((1,), (1,))) + ob_ref[0:1, :]

    fx1 = _ln(fx + attn_out, n1a_ref[0:1, :], n1b_ref[0:1, :])
    ffh = jnp.maximum(_dot(fx1, f1w_ref[...], ((1,), (1,))) + f1b_ref[0:1, :],
                      0.0)
    ff = _dot(ffh, f2w_ref[...], ((1,), (1,))) + f2b_ref[0:1, :]
    fx2 = _ln(fx1 + ff, n2a_ref[0:1, :], n2b_ref[0:1, :])
    fxo_ref[...] = fx2

    pxl = (_dot(fx2, puf_ref[...], ((1,), (1,))) +
           _dot(px, pup_ref[...], ((1,), (1,))) + pub_ref[0:1, :])

    simh = jnp.maximum(_dot(fx2, s1w_ref[...], ((1,), (1,))) + s1b_ref[0:1, :],
                       0.0)
    sim = (jnp.sum(simh * s2w_ref[0:1, :], axis=1, keepdims=True) +
           s2b_ref[0:1, 0:1])
    confh = jnp.maximum(_dot(fx2, c1w_ref[...], ((1,), (1,))) +
                        c1b_ref[0:1, :], 0.0)
    conf = jax.nn.sigmoid(
        jnp.sum(confh * c2w_ref[0:1, :], axis=1, keepdims=True) +
        c2b_ref[0:1, 0:1])

    qc = qcol_ref[:, 0:1]
    qr = qrow_ref[0:1, :]
    mask = (qc == qr).astype(F32)
    sm = sim * mask
    e = jnp.exp(sm)
    aw = e / jnp.sum(e, axis=0, keepdims=True)
    smoothed = _dot(aw, pxl, ((0,), (0,)))
    pxo_ref[...] = conf * pxl + (1.0 - conf) * smoothed


def _full(shape):
    return pl.BlockSpec(shape, lambda b: (0,) * len(shape))


def _vec8(v):
    v = jnp.asarray(v, F32).reshape(1, -1)
    return jnp.broadcast_to(v, (8, v.shape[1]))


def _prep_layer(p):
    pad = HP - DH
    wqkv = jnp.pad(
        jnp.stack([p['Qw'], p['Kw'], p['Vw']]).astype(BF16)
        .reshape(3 * HEADS, DH, FEAT_DIM),
        ((0, 0), (0, pad), (0, 0))).reshape(3 * HDIM, FEAT_DIM)
    bqkv = _vec8(jnp.pad(
        jnp.stack([p['Qb'], p['Kb'], p['Vb']]).reshape(3 * HEADS, DH),
        ((0, 0), (0, pad))).reshape(3 * HDIM))
    ow = jnp.pad(p['Ow'].astype(BF16).reshape(FEAT_DIM, HEADS, DH),
                 ((0, 0), (0, 0), (0, pad))).reshape(FEAT_DIM, HDIM)
    return (wqkv, bqkv,
            ow, _vec8(p['Ob']), _vec8(p['n1a']), _vec8(p['n1b']),
            p['ff1w'].astype(BF16), _vec8(p['ff1b']),
            p['ff2w'].astype(BF16), _vec8(p['ff2b']),
            _vec8(p['n2a']), _vec8(p['n2b']),
            p['puw'][:, :FEAT_DIM].astype(BF16),
            p['puw'][:, FEAT_DIM:].astype(BF16), _vec8(p['pub']),
            p['sim1w'].astype(BF16), _vec8(p['sim1b']), _vec8(p['sim2w'][0]),
            _vec8(jnp.broadcast_to(p['sim2b'], (8,))),
            p['conf1w'].astype(BF16), _vec8(p['conf1b']), _vec8(p['conf2w'][0]),
            _vec8(jnp.broadcast_to(p['conf2b'], (8,))))


def _layer_call(fx, px, qcol, qrow, wts):
    in_specs = [
        pl.BlockSpec((None, S, FEAT_DIM), lambda b: (b, 0, 0)),
        pl.BlockSpec((None, S, MAX_CHOICES), lambda b: (b, 0, 0)),
        pl.BlockSpec((None, S, 8), lambda b: (b, 0, 0)),
        pl.BlockSpec((None, 8, S), lambda b: (b, 0, 0)),
    ] + [_full(w.shape) for w in wts]
    return pl.pallas_call(
        _layer_body,
        grid=(B,),
        in_specs=in_specs,
        out_specs=[
            pl.BlockSpec((None, S, FEAT_DIM), lambda b: (b, 0, 0)),
            pl.BlockSpec((None, S, MAX_CHOICES), lambda b: (b, 0, 0)),
        ],
        out_shape=[
            jax.ShapeDtypeStruct((B, S, FEAT_DIM), F32),
            jax.ShapeDtypeStruct((B, S, MAX_CHOICES), F32),
        ],
        compiler_params=pltpu.CompilerParams(
            dimension_semantics=("arbitrary",)),
    )(fx, px, qcol, qrow, *wts)


def kernel(x, annotators, questions, embeddings, annotator_embedding,
           question_embedding, layer_params):
    qf = questions.astype(F32)
    qcol = jnp.broadcast_to(qf[:, :, None], (B, S, 8))
    qrow = jnp.broadcast_to(qf[:, None, :], (B, 8, S))
    qidx = questions.reshape(_BS)
    aidx = jnp.where(annotators < 0, N_ANN, annotators).reshape(_BS)
    emb_sum = _sc_gather_call(qidx, aidx, question_embedding,
                              annotator_embedding).reshape(B, S, EMB_DIM)
    fx = jnp.concatenate([emb_sum, embeddings, x[:, :, 1:]], axis=-1)
    px = x[:, :, 1:]
    for p in layer_params:
        fx, px = _layer_call(fx, px, qcol, qrow, _prep_layer(p))
    return px

# --- scband reference (transcript-rebuilt; emitter-appended) ---
"""Pipeline reference for scband-imputer-embedding-62766652064373 (READ-ONLY COPY).

The authoritative reference and input builder live on the scoring server;
editing this copy changes nothing except your own understanding.
"""

import jax, jax.numpy as jnp
import numpy as np

Q_NUM = 50
MAX_CHOICES = 8
LAYERS = 6
HEADS = 8
N_ANN = 100
EMB_DIM = 128
SENT_DIM = 384
FEAT_DIM = EMB_DIM + MAX_CHOICES + SENT_DIM  # 520
PARAM_DIM = MAX_CHOICES
D_FF = 4 * FEAT_DIM
B, S = 16, 512


def _mk(k, shape, scale=0.02):
    return jax.random.normal(k, shape, dtype=jnp.float32) * scale


def setup_inputs(seed: int = 0) -> dict:
    key = jax.random.key(seed)
    ks = jax.random.split(key, 7)
    x = jax.random.uniform(ks[0], (B, S, MAX_CHOICES + 1), dtype=jnp.float32)
    annotators = jax.random.randint(ks[1], (B, S), 0, N_ANN)
    questions = jax.random.randint(ks[2], (B, S), 0, Q_NUM)
    embeddings = jax.random.normal(ks[3], (B, S, SENT_DIM), dtype=jnp.float32)
    annotator_embedding = _mk(ks[4], (N_ANN + 1, EMB_DIM), 0.05)
    question_embedding = _mk(ks[5], (Q_NUM, EMB_DIM), 0.05)
    layer_params = []
    k = ks[6]
    h = FEAT_DIM // 2
    for i in range(LAYERS):
        k, *sub = jax.random.split(k, 12)
        p = {
            'Qw': _mk(sub[0], (FEAT_DIM, FEAT_DIM)), 'Qb': jnp.zeros(FEAT_DIM),
            'Kw': _mk(sub[1], (FEAT_DIM, FEAT_DIM)), 'Kb': jnp.zeros(FEAT_DIM),
            'Vw': _mk(sub[2], (FEAT_DIM, FEAT_DIM)), 'Vb': jnp.zeros(FEAT_DIM),
            'Ow': _mk(sub[3], (FEAT_DIM, FEAT_DIM)), 'Ob': jnp.zeros(FEAT_DIM),
            'n1a': jnp.ones(FEAT_DIM), 'n1b': jnp.zeros(FEAT_DIM),
            'n2a': jnp.ones(FEAT_DIM), 'n2b': jnp.zeros(FEAT_DIM),
            'ff1w': _mk(sub[4], (D_FF, FEAT_DIM)), 'ff1b': jnp.zeros(D_FF),
            'ff2w': _mk(sub[5], (FEAT_DIM, D_FF)), 'ff2b': jnp.zeros(FEAT_DIM),
            'puw': _mk(sub[6], (PARAM_DIM, FEAT_DIM + PARAM_DIM)), 'pub': jnp.zeros(PARAM_DIM),
            'sim1w': _mk(sub[7], (h, FEAT_DIM)), 'sim1b': jnp.zeros(h),
            'sim2w': _mk(sub[8], (1, h)), 'sim2b': jnp.zeros(1),
            'conf1w': _mk(sub[9], (h, FEAT_DIM)), 'conf1b': jnp.zeros(h),
            'conf2w': _mk(sub[10], (1, h)), 'conf2b': jnp.zeros(1),
        }
        layer_params.append(p)
    return {
        'x': x, 'annotators': annotators, 'questions': questions,
        'embeddings': embeddings,
        'annotator_embedding': annotator_embedding,
        'question_embedding': question_embedding,
        'layer_params': layer_params,
    }


def _linear(z, w, b):
    return jnp.matmul(z, w.T) + b


def _norm(z, a, b, eps=1e-6):
    mean = jnp.mean(z, axis=-1, keepdims=True)
    std = jnp.std(z, axis=-1, keepdims=True, ddof=1)
    return a * (z - mean) / (std + eps) + b


def _encoder_layer(p, feature_x, param_x, questions):
    Bs, Ss, F = feature_x.shape
    dh = F // HEADS
    q = _linear(feature_x, p['Qw'], p['Qb']).reshape(Bs, Ss, HEADS, dh).transpose(0, 2, 1, 3)
    k = _linear(feature_x, p['Kw'], p['Kb']).reshape(Bs, Ss, HEADS, dh).transpose(0, 2, 1, 3)
    v = _linear(feature_x, p['Vw'], p['Vb']).reshape(Bs, Ss, HEADS, dh).transpose(0, 2, 1, 3)
    scores = jnp.matmul(q, k.transpose(0, 1, 3, 2)) / np.sqrt(dh)
    attn = jax.nn.softmax(scores, axis=-1)
    out = jnp.matmul(attn, v).transpose(0, 2, 1, 3).reshape(Bs, Ss, F)
    out = _linear(out, p['Ow'], p['Ob'])
    fx = _norm(feature_x + out, p['n1a'], p['n1b'])
    ff = _linear(jax.nn.relu(_linear(fx, p['ff1w'], p['ff1b'])), p['ff2w'], p['ff2b'])
    fx = _norm(fx + ff, p['n2a'], p['n2b'])
    comb = jnp.concatenate([fx, param_x], axis=-1)
    px = _linear(comb, p['puw'], p['pub'])
    sim = _linear(jax.nn.relu(_linear(fx, p['sim1w'], p['sim1b'])), p['sim2w'], p['sim2b'])[..., 0]
    conf = jax.nn.sigmoid(_linear(jax.nn.relu(_linear(fx, p['conf1w'], p['conf1b'])), p['conf2w'], p['conf2b'])[..., 0])
    qmask = (questions[:, :, None] == questions[:, None, :]).astype(jnp.float32)
    sm = sim[:, :, None] * qmask
    aw = jax.nn.softmax(sm, axis=-2)
    smoothed = jnp.matmul(aw.transpose(0, 2, 1), px)
    px = conf[:, :, None] * px + (1.0 - conf[:, :, None]) * smoothed
    return fx, px


def reference(x, annotators, questions, embeddings, annotator_embedding, question_embedding, layer_params):
    q_emb = jnp.take(question_embedding, questions, axis=0)
    ann = jnp.where(annotators < 0, N_ANN, annotators)
    a_emb = jnp.take(annotator_embedding, ann, axis=0)
    fx = jnp.concatenate([q_emb + a_emb, embeddings, x[:, :, 1:]], axis=-1)
    px = x[:, :, 1:]
    for p in layer_params:
        fx, px = _encoder_layer(p, fx, px, questions)
    return px

if __name__ == "__main__":
    import jax
    _d = setup_inputs()
    print(jax.jit(kernel)(*tuple(_d.values())))

</pallas_src>

<mosaic_0001>
#map = affine_map<(d0, d1) -> (0)>
#map1 = affine_map<(d0, d1) -> (0, 0)>
module attributes {stable_mosaic.version = 14 : i64} {
  func.func @k(%arg0: i32, %arg1: i32, %arg2: memref<8192xi32, #tpu.memory_space<hbm>>, %arg3: memref<8192xi32, #tpu.memory_space<hbm>>, %arg4: memref<50x128xf32, #tpu.memory_space<hbm>>, %arg5: memref<101x128xf32, #tpu.memory_space<hbm>>, %arg6: memref<8192x128xf32, #tpu.memory_space<hbm>>, %arg7: memref<256xi32, #tpu.memory_space<vmem>>, %arg8: memref<256xi32, #tpu.memory_space<vmem>>, %arg9: memref<256x128xf32, #tpu.memory_space<vmem>>, %arg10: memref<256x128xf32, #tpu.memory_space<vmem>>, %arg11: memref<!tpu.dma_semaphore, #tpu.memory_space<semaphore_mem>>, %arg12: memref<!tpu.dma_semaphore, #tpu.memory_space<semaphore_mem>>) attributes {dimension_semantics = [#tpu.dimension_semantics<core_parallel>, #tpu.dimension_semantics<subcore_parallel>], iteration_bounds = array<i64: 2, 16>, scalar_prefetch = 0 : i64, scratch_operands = 6 : i64, tpu.core_type = #tpu.core_type<sc_vector_subcore>, window_params = [{transform_indices = #map}, {transform_indices = #map}, {transform_indices = #map1}, {transform_indices = #map1}, {transform_indices = #map1}]} {
    %mul3A = arith.constant 2 : i32
    %mul3A_0 = arith.muli %arg1, %mul3A : i32
    %add3A = arith.addi %mul3A_0, %arg0 : i32
    %mul3A_1 = arith.constant 256 : i32
    %mul3A_2 = arith.muli %add3A, %mul3A_1 : i32
    "tpu.region"() ({
      %run_scoped3A = tpu.sem_alloc : memref<!tpu.dma_semaphore, #tpu.memory_space<semaphore_mem>>
      %dma_start3A_18 = tpu.memref_slice %arg2[%mul3A_2] : memref<8192xi32, #tpu.memory_space<hbm>> -> memref<256xi32, #tpu.memory_space<hbm>>
      %dma_start3A_19 = tpu.memref_slice %arg2[%mul3A_2] : memref<8192xi32, #tpu.memory_space<hbm>> -> memref<256xi32, #tpu.memory_space<hbm>>
      tpu.enqueue_dma source(%dma_start3A_19 : memref<256xi32, #tpu.memory_space<hbm>>) target(%arg7 : memref<256xi32, #tpu.memory_space<vmem>>) target_semaphore(%run_scoped3A : memref<!tpu.dma_semaphore, #tpu.memory_space<semaphore_mem>>)
      %dma_wait3A_20 = tpu.memref_slice %arg2[%mul3A_2] : memref<8192xi32, #tpu.memory_space<hbm>> -> memref<256xi32, #tpu.memory_space<hbm>>
      %dma_wait3A_21 = tpu.memref_slice %arg2[%mul3A_2] : memref<8192xi32, #tpu.memory_space<hbm>> -> memref<256xi32, #tpu.memory_space<hbm>>
      tpu.wait_dma2 semaphore(%run_scoped3A : memref<!tpu.dma_semaphore, #tpu.memory_space<semaphore_mem>>) src(%dma_wait3A_21 : memref<256xi32, #tpu.memory_space<hbm>>) dst(%arg7 : memref<256xi32, #tpu.memory_space<vmem>>)
      tpu.yield
    }) : () -> ()
    "tpu.region"() ({
      %run_scoped3A = tpu.sem_alloc : memref<!tpu.dma_semaphore, #tpu.memory_space<semaphore_mem>>
      %dma_start3A_18 = tpu.memref_slice %arg3[%mul3A_2] : memref<8192xi32, #tpu.memory_space<hbm>> -> memref<256xi32, #tpu.memory_space<hbm>>
      %dma_start3A_19 = tpu.memref_slice %arg3[%mul3A_2] : memref<8192xi32, #tpu.memory_space<hbm>> -> memref<256xi32, #tpu.memory_space<hbm>>
      tpu.enqueue_dma source(%dma_start3A_19 : memref<256xi32, #tpu.memory_space<hbm>>) target(%arg8 : memref<256xi32, #tpu.memory_space<vmem>>) target_semaphore(%run_scoped3A : memref<!tpu.dma_semaphore, #tpu.memory_space<semaphore_mem>>)
      %dma_wait3A_20 = tpu.memref_slice %arg3[%mul3A_2] : memref<8192xi32, #tpu.memory_space<hbm>> -> memref<256xi32, #tpu.memory_space<hbm>>
      %dma_wait3A_21 = tpu.memref_slice %arg3[%mul3A_2] : memref<8192xi32, #tpu.memory_space<hbm>> -> memref<256xi32, #tpu.memory_space<hbm>>
      tpu.wait_dma2 semaphore(%run_scoped3A : memref<!tpu.dma_semaphore, #tpu.memory_space<semaphore_mem>>) src(%dma_wait3A_21 : memref<256xi32, #tpu.memory_space<hbm>>) dst(%arg8 : memref<256xi32, #tpu.memory_space<vmem>>)
      tpu.yield
    }) : () -> ()
    %dma_start3A = arith.constant 0 : i32
    %dma_start3A_3 = arith.constant 0 : i32
    %dma_start3A_4 = tpu.memref_slice %arg4[%dma_start3A, %dma_start3A_3] : memref<50x128xf32, #tpu.memory_space<hbm>> -> memref<50x128xf32, #tpu.memory_space<hbm>>
    tpu.enqueue_indirect_dma source(%dma_start3A_4 : memref<50x128xf32, #tpu.memory_space<hbm>>) target(%arg9 : memref<256x128xf32, #tpu.memory_space<vmem>>) offsets(%arg7 : memref<256xi32, #tpu.memory_space<vmem>>) semaphore(%arg11 : memref<!tpu.dma_semaphore, #tpu.memory_space<semaphore_mem>>)
    %dma_start3A_5 = arith.constant 0 : i32
    %dma_start3A_6 = arith.constant 0 : i32
    %dma_start3A_7 = tpu.memref_slice %arg5[%dma_start3A_5, %dma_start3A_6] : memref<101x128xf32, #tpu.memory_space<hbm>> -> memref<101x128xf32, #tpu.memory_space<hbm>>
    tpu.enqueue_indirect_dma source(%dma_start3A_7 : memref<101x128xf32, #tpu.memory_space<hbm>>) target(%arg10 : memref<256x128xf32, #tpu.memory_space<vmem>>) offsets(%arg8 : memref<256xi32, #tpu.memory_space<vmem>>) semaphore(%arg12 : memref<!tpu.dma_semaphore, #tpu.memory_space<semaphore_mem>>)
    %dma_wait3A = arith.constant 0 : i32
    %dma_wait3A_8 = arith.constant 0 : i32
    %dma_wait3A_9 = tpu.memref_slice %arg4[%dma_wait3A, %dma_wait3A_8] : memref<50x128xf32, #tpu.memory_space<hbm>> -> memref<50x128xf32, #tpu.memory_space<hbm>>
    tpu.wait_indirect_dma semaphore(%arg11 : memref<!tpu.dma_semaphore, #tpu.memory_space<semaphore_mem>>) src(%dma_wait3A_9 : memref<50x128xf32, #tpu.memory_space<hbm>>) dst(%arg9 : memref<256x128xf32, #tpu.memory_space<vmem>>)
    %dma_wait3A_10 = arith.constant 0 : i32
    %dma_wait3A_11 = arith.constant 0 : i32
    %dma_wait3A_12 = tpu.memref_slice %arg5[%dma_wait3A_10, %dma_wait3A_11] : memref<101x128xf32, #tpu.memory_space<hbm>> -> memref<101x128xf32, #tpu.memory_space<hbm>>
    tpu.wait_indirect_dma semaphore(%arg12 : memref<!tpu.dma_semaphore, #tpu.memory_space<semaphore_mem>>) src(%dma_wait3A_12 : memref<101x128xf32, #tpu.memory_space<hbm>>) dst(%arg10 : memref<256x128xf32, #tpu.memory_space<vmem>>)
    %scan3A = arith.constant 0 : i32
    %scan3A_13 = arith.constant 0 : i32
    %scan3A_14 = arith.constant 2048 : i32
    %scan3A_15 = arith.addi %scan3A_13, %scan3A_14 : i32
    %scan3A_16 = arith.constant 1 : i32
    scf.for %scan3A_18 = %scan3A_13 to %scan3A_15 step %scan3A_16  : i32 {
      %jit3A = arith.constant 8 : i32
      %div3A = arith.divsi %scan3A_18, %jit3A : i32
      %sign3A = arith.constant 0 : i32
      %sign3A_19 = arith.cmpi sgt, %scan3A_18, %sign3A : i32
      %sign3A_20 = arith.extui %sign3A_19 : i1 to i32
      %sign3A_21 = arith.constant 0 : i32
      %sign3A_22 = arith.cmpi slt, %scan3A_18, %sign3A_21 : i32
      %sign3A_23 = arith.extui %sign3A_22 : i1 to i32
      %sign3A_24 = arith.subi %sign3A_20, %sign3A_23 : i32
      %sign3A_25 = arith.constant 0 : i32
      %sign3A_26 = arith.cmpi sgt, %jit3A, %sign3A_25 : i32
      %sign3A_27 = arith.extui %sign3A_26 : i1 to i32
      %sign3A_28 = arith.constant 0 : i32
      %sign3A_29 = arith.cmpi slt, %jit3A, %sign3A_28 : i32
      %sign3A_30 = arith.extui %sign3A_29 : i1 to i32
      %sign3A_31 = arith.subi %sign3A_27, %sign3A_30 : i32
      %ne3A = arith.cmpi ne, %sign3A_24, %sign3A_31 : i32
      %rem3A = arith.remsi %scan3A_18, %jit3A : i32
      %ne3A_32 = arith.constant 0 : i32
      %ne3A_33 = arith.cmpi ne, %rem3A, %ne3A_32 : i32
      %and3A = arith.andi %ne3A, %ne3A_33 : i1
      %sub3A = arith.constant 1 : i32
      %sub3A_34 = arith.subi %div3A, %sub3A : i32
      %select_n3A = arith.select %and3A, %sub3A_34, %div3A : i32
      %jit3A_35 = arith.constant 8 : i32
      %eq3A = arith.constant 0 : i32
      %eq3A_36 = arith.cmpi eq, %jit3A_35, %eq3A : i32
      %jit3A_37 = arith.constant 1 : i32
      %select_n3A_38 = arith.select %eq3A_36, %jit3A_37, %jit3A_35 : i32
      %rem3A_39 = arith.remsi %scan3A_18, %select_n3A_38 : i32
      %ne3A_40 = arith.constant 0 : i32
      %ne3A_41 = arith.cmpi ne, %rem3A_39, %ne3A_40 : i32
      %lt3A = arith.constant 0 : i32
      %lt3A_42 = arith.cmpi slt, %rem3A_39, %lt3A : i32
      %lt3A_43 = arith.constant 0 : i32
      %lt3A_44 = arith.cmpi slt, %select_n3A_38, %lt3A_43 : i32
      %ne3A_45 = arith.xori %lt3A_42, %lt3A_44 : i1
      %and3A_46 = arith.andi %ne3A_45, %ne3A_41 : i1
      %add3A_47 = arith.addi %rem3A_39, %select_n3A_38 : i32
      %select_n3A_48 = arith.select %and3A_46, %add3A_47, %rem3A_39 : i32
      %mul3A_49 = arith.constant 16 : i32
      %mul3A_50 = arith.muli %select_n3A_48, %mul3A_49 : i32
      %get3A = arith.index_cast %select_n3A : i32 to index
      %get3A_51 = arith.index_cast %mul3A_50 : i32 to index
      %get3A_52 = tpu.vector_load %arg9[%get3A, %get3A_51] {strides = array<i32>} : memref<256x128xf32, #tpu.memory_space<vmem>>, vector<1x16xf32>,
      %get3A_53 = vector.shape_cast %get3A_52 : vector<1x16xf32> to vector<16xf32>
      %get3A_54 = arith.index_cast %select_n3A : i32 to index
      %get3A_55 = arith.index_cast %mul3A_50 : i32 to index
      %get3A_56 = tpu.vector_load %arg10[%get3A_54, %get3A_55] {strides = array<i32>} : memref<256x128xf32, #tpu.memory_space<vmem>>, vector<1x16xf32>,
      %get3A_57 = vector.shape_cast %get3A_56 : vector<1x16xf32> to vector<16xf32>
      %add3A_58 = arith.addf %get3A_53, %get3A_57 : vector<16xf32>
      %swap3A = arith.index_cast %select_n3A : i32 to index
      %swap3A_59 = arith.index_cast %mul3A_50 : i32 to index
      %swap3A_60 = tpu.vector_load %arg9[%swap3A, %swap3A_59] {strides = array<i32>} : memref<256x128xf32, #tpu.memory_space<vmem>>, vector<1x16xf32>,
      %swap3A_61 = vector.shape_cast %swap3A_60 : vector<1x16xf32> to vector<16xf32>
      %swap3A_62 = vector.shape_cast %add3A_58 : vector<16xf32> to vector<1x16xf32>
      tpu.vector_store %arg9[%swap3A, %swap3A_59], %swap3A_62 {strides = array<i32>} : memref<256x128xf32, #tpu.memory_space<vmem>>, vector<1x16xf32>,
    }
    %scan3A_17 = arith.constant 2048 : i32
    "tpu.region"() ({
      %run_scoped3A = tpu.sem_alloc : memref<!tpu.dma_semaphore, #tpu.memory_space<semaphore_mem>>
      %dma_start3A_18 = arith.constant 0 : i32
      %dma_start3A_19 = tpu.memref_slice %arg6[%mul3A_2, %dma_start3A_18] : memref<8192x128xf32, #tpu.memory_space<hbm>> -> memref<256x128xf32, #tpu.memory_space<hbm>>
      %dma_start3A_20 = arith.constant 0 : i32
      %dma_start3A_21 = tpu.memref_slice %arg6[%mul3A_2, %dma_start3A_20] : memref<8192x128xf32, #tpu.memory_space<hbm>> -> memref<256x128xf32, #tpu.memory_space<hbm>>
      tpu.enqueue_dma source(%arg9 : memref<256x128xf32, #tpu.memory_space<vmem>>) target(%dma_start3A_21 : memref<256x128xf32, #tpu.memory_space<hbm>>) target_semaphore(%run_scoped3A : memref<!tpu.dma_semaphore, #tpu.memory_space<semaphore_mem>>)
      %dma_wait3A_22 = arith.constant 0 : i32
      %dma_wait3A_23 = tpu.memref_slice %arg6[%mul3A_2, %dma_wait3A_22] : memref<8192x128xf32, #tpu.memory_space<hbm>> -> memref<256x128xf32, #tpu.memory_space<hbm>>
      %dma_wait3A_24 = arith.constant 0 : i32
      %dma_wait3A_25 = tpu.memref_slice %arg6[%mul3A_2, %dma_wait3A_24] : memref<8192x128xf32, #tpu.memory_space<hbm>> -> memref<256x128xf32, #tpu.memory_space<hbm>>
      tpu.wait_dma2 semaphore(%run_scoped3A : memref<!tpu.dma_semaphore, #tpu.memory_space<semaphore_mem>>) src(%arg9 : memref<256x128xf32, #tpu.memory_space<vmem>>) dst(%dma_wait3A_25 : memref<256x128xf32, #tpu.memory_space<hbm>>)
      tpu.yield
    }) : () -> ()
    return
  }
}

module attributes {stable_mosaic.version = 14 : i64} {
  func.func @_layer_body(%arg0: i32, %arg1: memref<1x512x520xf32, #tpu.memory_space<vmem>>, %arg2: memref<1x512x8xf32, #tpu.memory_space<vmem>>, %arg3: memref<1x512x8xf32, #tpu.memory_space<vmem>>, %arg4: memref<1x8x512xf32, #tpu.memory_space<vmem>>, %arg5: memref<3072x520xbf16, #tpu.memory_space<vmem>>, %arg6: memref<8x3072xf32, #tpu.memory_space<vmem>>, %arg7: memref<520x1024xbf16, #tpu.memory_space<vmem>>, %arg8: memref<8x520xf32, #tpu.memory_space<vmem>>, %arg9: memref<8x520xf32, #tpu.memory_space<vmem>>, %arg10: memref<8x520xf32, #tpu.memory_space<vmem>>, %arg11: memref<2080x520xbf16, #tpu.memory_space<vmem>>, %arg12: memref<8x2080xf32, #tpu.memory_space<vmem>>, %arg13: memref<520x2080xbf16, #tpu.memory_space<vmem>>, %arg14: memref<8x520xf32, #tpu.memory_space<vmem>>, %arg15: memref<8x520xf32, #tpu.memory_space<vmem>>, %arg16: memref<8x520xf32, #tpu.memory_space<vmem>>, %arg17: memref<8x520xbf16, #tpu.memory_space<vmem>>, %arg18: memref<8x8xbf16, #tpu.memory_space<vmem>>, %arg19: memref<8x8xf32, #tpu.memory_space<vmem>>, %arg20: memref<260x520xbf16, #tpu.memory_space<vmem>>, %arg21: memref<8x260xf32, #tpu.memory_space<vmem>>, %arg22: memref<8x260xf32, #tpu.memory_space<vmem>>, %arg23: memref<8x8xf32, #tpu.memory_space<vmem>>, %arg24: memref<260x520xbf16, #tpu.memory_space<vmem>>, %arg25: memref<8x260xf32, #tpu.memory_space<vmem>>, %arg26: memref<8x260xf32, #tpu.memory_space<vmem>>, %arg27: memref<8x8xf32, #tpu.memory_space<vmem>>, %arg28: memref<1x512x520xf32, #tpu.memory_space<vmem>>, %arg29: memref<1x512x8xf32, #tpu.memory_space<vmem>>) attributes {dimension_semantics = [#tpu.dimension_semantics<arbitrary>], iteration_bounds = array<i64: 16>, scalar_prefetch = 0 : i64, scratch_operands = 0 : i64, tpu.core_type = #tpu.core_type<tc>, window_params = [{transform_indices = @transform_0, window_bounds = array<i64: 1, 512, 520>}, {transform_indices = @transform_1, window_bounds = array<i64: 1, 512, 8>}, {transform_indices = @transform_2, window_bounds = array<i64: 1, 512, 8>}, {transform_indices = @transform_3, window_bounds = array<i64: 1, 8, 512>}, {pipeline_mode = #tpu.pipeline_mode<synchronous>, transform_indices = @transform_4, window_bounds = array<i64: 3072, 520>}, {pipeline_mode = #tpu.pipeline_mode<synchronous>, transform_indices = @transform_5, window_bounds = array<i64: 8, 3072>}, {pipeline_mode = #tpu.pipeline_mode<synchronous>, transform_indices = @transform_6, window_bounds = array<i64: 520, 1024>}, {pipeline_mode = #tpu.pipeline_mode<synchronous>, transform_indices = @transform_7, window_bounds = array<i64: 8, 520>}, {pipeline_mode = #tpu.pipeline_mode<synchronous>, transform_indices = @transform_8, window_bounds = array<i64: 8, 520>}, {pipeline_mode = #tpu.pipeline_mode<synchronous>, transform_indices = @transform_9, window_bounds = array<i64: 8, 520>}, {pipeline_mode = #tpu.pipeline_mode<synchronous>, transform_indices = @transform_10, window_bounds = array<i64: 2080, 520>}, {pipeline_mode = #tpu.pipeline_mode<synchronous>, transform_indices = @transform_11, window_bounds = array<i64: 8, 2080>}, {pipeline_mode = #tpu.pipeline_mode<synchronous>, transform_indices = @transform_12, window_bounds = array<i64: 520, 2080>}, {pipeline_mode = #tpu.pipeline_mode<synchronous>, transform_indices = @transform_13, window_bounds = array<i64: 8, 520>}, {pipeline_mode = #tpu.pipeline_mode<synchronous>, transform_indices = @transform_14, window_bounds = array<i64: 8, 520>}, {pipeline_mode = #tpu.pipeline_mode<synchronous>, transform_indices = @transform_15, window_bounds = array<i64: 8, 520>}, {pipeline_mode = #tpu.pipeline_mode<synchronous>, transform_indices = @transform_16, window_bounds = array<i64: 8, 520>}, {pipeline_mode = #tpu.pipeline_mode<synchronous>, transform_indices = @transform_17, window_bounds = array<i64: 8, 8>}, {pipeline_mode = #tpu.pipeline_mode<synchronous>, transform_indices = @transform_18, window_bounds = array<i64: 8, 8>}, {pipeline_mode = #tpu.pipeline_mode<synchronous>, transform_indices = @transform_19, window_bounds = array<i64: 260, 520>}, {pipeline_mode = #tpu.pipeline_mode<synchronous>, transform_indices = @transform_20, window_bounds = array<i64: 8, 260>}, {pipeline_mode = #tpu.pipeline_mode<synchronous>, transform_indices = @transform_21, window_bounds = array<i64: 8, 260>}, {pipeline_mode = #tpu.pipeline_mode<synchronous>, transform_indices = @transform_22, window_bounds = array<i64: 8, 8>}, {pipeline_mode = #tpu.pipeline_mode<synchronous>, transform_indices = @transform_23, window_bounds = array<i64: 260, 520>}, {pipeline_mode = #tpu.pipeline_mode<synchronous>, transform_indices = @transform_24, window_bounds = array<i64: 8, 260>}, {pipeline_mode = #tpu.pipeline_mode<synchronous>, transform_indices = @transform_25, window_bounds = array<i64: 8, 260>}, {pipeline_mode = #tpu.pipeline_mode<synchronous>, transform_indices = @transform_26, window_bounds = array<i64: 8, 8>}, {transform_indices = @transform_27, window_bounds = array<i64: 1, 512, 520>}, {transform_indices = @transform_28, window_bounds = array<i64: 1, 512, 8>}]} {
    %get3A = arith.constant 0 : index
    %get3A_0 = arith.constant 0 : index
    %get3A_1 = arith.constant 0 : index
    %get3A_2 = vector.load %arg1[%get3A, %get3A_0, %get3A_1] : memref<1x512x520xf32, #tpu.memory_space<vmem>>, vector<1x512x520xf32>
    %get3A_3 = vector.shape_cast %get3A_2 : vector<1x512x520xf32> to vector<512x520xf32>
    %get3A_4 = arith.constant 0 : index
    %get3A_5 = arith.constant 0 : index
    %get3A_6 = arith.constant 0 : index
    %get3A_7 = vector.load %arg2[%get3A_4, %get3A_5, %get3A_6] : memref<1x512x8xf32, #tpu.memory_space<vmem>>, vector<1x512x8xf32>
    %get3A_8 = vector.shape_cast %get3A_7 : vector<1x512x8xf32> to vector<512x8xf32>
    %get3A_9 = arith.constant 0 : index
    %get3A_10 = arith.constant 0 : index
    %get3A_11 = vector.load %arg5[%get3A_9, %get3A_10] : memref<3072x520xbf16, #tpu.memory_space<vmem>>, vector<3072x520xbf16>
    %convert_element_type3A = arith.truncf %get3A_3 : vector<512x520xf32> to vector<512x520xbf16>
    %dot_general3A = arith.constant dense<0.000000e+00> : vector<512x3072xf32>
    %dot_general3A_12 = tpu.matmul %convert_element_type3A, %get3A_11, %dot_general3A {dimension_numbers = #tpu.dot_dimension_numbers<[1], [1], [0], [0], [0, 0, 1, 0], [], []>, transpose_lhs_hint = false} : vector<512x520xbf16>, vector<3072x520xbf16>, vector<512x3072xf32> -> vector<512x3072xf32>
    %get3A_13 = arith.constant 0 : index
    %get3A_14 = arith.constant 0 : index
    %get3A_15 = vector.load %arg6[%get3A_13, %get3A_14] : memref<8x3072xf32, #tpu.memory_space<vmem>>, vector<1x3072xf32>
    %add3A = vector.broadcast %get3A_15 : vector<1x3072xf32> to vector<512x3072xf32>
    %add3A_16 = arith.addf %dot_general3A_12, %add3A : vector<512x3072xf32>
    %slice3A = vector.extract_strided_slice %add3A_16 {offsets = [0, 0], sizes = [512, 1024], strides = [1, 1]} : vector<512x3072xf32> to vector<512x1024xf32>
    %slice3A_17 = vector.extract_strided_slice %add3A_16 {offsets = [0, 1024], sizes = [512, 1024], strides = [1, 1]} : vector<512x3072xf32> to vector<512x1024xf32>
    %slice3A_18 = vector.extract_strided_slice %add3A_16 {offsets = [0, 2048], sizes = [512, 1024], strides = [1, 1]} : vector<512x3072xf32> to vector<512x1024xf32>
    %slice3A_19 = vector.extract_strided_slice %slice3A {offsets = [0, 0], sizes = [512, 128], strides = [1, 1]} : vector<512x1024xf32> to vector<512x128xf32>
    %slice3A_20 = vector.extract_strided_slice %slice3A_17 {offsets = [0, 0], sizes = [512, 128], strides = [1, 1]} : vector<512x1024xf32> to vector<512x128xf32>
    %convert_element_type3A_21 = arith.truncf %slice3A_19 : vector<512x128xf32> to vector<512x128xbf16>
    %convert_element_type3A_22 = arith.truncf %slice3A_20 : vector<512x128xf32> to vector<512x128xbf16>
    %dot_general3A_23 = arith.constant dense<0.000000e+00> : vector<512x512xf32>
    %dot_general3A_24 = tpu.matmul %convert_element_type3A_21, %convert_element_type3A_22, %dot_general3A_23 {dimension_numbers = #tpu.dot_dimension_numbers<[1], [1], [0], [0], [0, 0, 1, 0], [], []>, transpose_lhs_hint = false} : vector<512x128xbf16>, vector<512x128xbf16>, vector<512x512xf32> -> vector<512x512xf32>
    %mul3A = arith.constant 0.124034733 : f32
    %mul3A_25 = vector.broadcast %mul3A : f32 to vector<512x512xf32>
    %mul3A_26 = arith.mulf %dot_general3A_24, %mul3A_25 : vector<512x512xf32>
    %exp3A = math.exp %mul3A_26 : vector<512x512xf32>
    %reduce_sum3A = arith.constant dense<0.000000e+00> : vector<512xf32>
    %reduce_sum3A_27 = vector.multi_reduction <add>, %exp3A, %reduce_sum3A [1] : vector<512x512xf32> to vector<512xf32>
    %broadcast_in_dim3A = vector.shape_cast %reduce_sum3A_27 : vector<512xf32> to vector<512x1xf32>
    %div3A = vector.broadcast %broadcast_in_dim3A : vector<512x1xf32> to vector<512x512xf32>
    %div3A_28 = arith.divf %exp3A, %div3A : vector<512x512xf32>
    %slice3A_29 = vector.extract_strided_slice %slice3A_18 {offsets = [0, 0], sizes = [512, 128], strides = [1, 1]} : vector<512x1024xf32> to vector<512x128xf32>
    %convert_element_type3A_30 = arith.truncf %div3A_28 : vector<512x512xf32> to vector<512x512xbf16>
    %convert_element_type3A_31 = arith.truncf %slice3A_29 : vector<512x128xf32> to vector<512x128xbf16>
    %dot_general3A_32 = arith.constant dense<0.000000e+00> : vector<512x128xf32>
    %dot_general3A_33 = tpu.matmul %convert_element_type3A_30, %convert_element_type3A_31, %dot_general3A_32 {dimension_numbers = #tpu.dot_dimension_numbers<[1], [0], [0], [1], [0, 0, 1, 1], [], []>, transpose_lhs_hint = false} : vector<512x512xbf16>, vector<512x128xbf16>, vector<512x128xf32> -> vector<512x128xf32>
    %slice3A_34 = vector.extract_strided_slice %slice3A {offsets = [0, 128], sizes = [512, 128], strides = [1, 1]} : vector<512x1024xf32> to vector<512x128xf32>
    %slice3A_35 = vector.extract_strided_slice %slice3A_17 {offsets = [0, 128], sizes = [512, 128], strides = [1, 1]} : vector<512x1024xf32> to vector<512x128xf32>
    %convert_element_type3A_36 = arith.truncf %slice3A_34 : vector<512x128xf32> to vector<512x128xbf16>
    %convert_element_type3A_37 = arith.truncf %slice3A_35 : vector<512x128xf32> to vector<512x128xbf16>
    %dot_general3A_38 = arith.constant dense<0.000000e+00> : vector<512x512xf32>
    %dot_general3A_39 = tpu.matmul %convert_element_type3A_36, %convert_element_type3A_37, %dot_general3A_38 {dimension_numbers = #tpu.dot_dimension_numbers<[1], [1], [0], [0], [0, 0, 1, 0], [], []>, transpose_lhs_hint = false} : vector<512x128xbf16>, vector<512x128xbf16>, vector<512x512xf32> -> vector<512x512xf32>
    %mul3A_40 = arith.constant 0.124034733 : f32
    %mul3A_41 = vector.broadcast %mul3A_40 : f32 to vector<512x512xf32>
    %mul3A_42 = arith.mulf %dot_general3A_39, %mul3A_41 : vector<512x512xf32>
    %exp3A_43 = math.exp %mul3A_42 : vector<512x512xf32>
    %reduce_sum3A_44 = arith.constant dense<0.000000e+00> : vector<512xf32>
    %reduce_sum3A_45 = vector.multi_reduction <add>, %exp3A_43, %reduce_sum3A_44 [1] : vector<512x512xf32> to vector<512xf32>
    %broadcast_in_dim3A_46 = vector.shape_cast %reduce_sum3A_45 : vector<512xf32> to vector<512x1xf32>
    %div3A_47 = vector.broadcast %broadcast_in_dim3A_46 : vector<512x1xf32> to vector<512x512xf32>
    %div3A_48 = arith.divf %exp3A_43, %div3A_47 : vector<512x512xf32>
    %slice3A_49 = vector.extract_strided_slice %slice3A_18 {offsets = [0, 128], sizes = [512, 128], strides = [1, 1]} : vector<512x1024xf32> to vector<512x128xf32>
    %convert_element_type3A_50 = arith.truncf %div3A_48 : vector<512x512xf32> to vector<512x512xbf16>
    %convert_element_type3A_51 = arith.truncf %slice3A_49 : vector<512x128xf32> to vector<512x128xbf16>
    %dot_general3A_52 = arith.constant dense<0.000000e+00> : vector<512x128xf32>
    %dot_general3A_53 = tpu.matmul %convert_element_type3A_50, %convert_element_type3A_51, %dot_general3A_52 {dimension_numbers = #tpu.dot_dimension_numbers<[1], [0], [0], [1], [0, 0, 1, 1], [], []>, transpose_lhs_hint = false} : vector<512x512xbf16>, vector<512x128xbf16>, vector<512x128xf32> -> vector<512x128xf32>
    %slice3A_54 = vector.extract_strided_slice %slice3A {offsets = [0, 256], sizes = [512, 128], strides = [1, 1]} : vector<512x1024xf32> to vector<512x128xf32>
    %slice3A_55 = vector.extract_strided_slice %slice3A_17 {offsets = [0, 256], sizes = [512, 128], strides = [1, 1]} : vector<512x1024xf32> to vector<512x128xf32>
    %convert_element_type3A_56 = arith.truncf %slice3A_54 : vector<512x128xf32> to vector<512x128xbf16>
    %convert_element_type3A_57 = arith.truncf %slice3A_55 : vector<512x128xf32> to vector<512x128xbf16>
    %dot_general3A_58 = arith.constant dense<0.000000e+00> : vector<512x512xf32>
    %dot_general3A_59 = tpu.matmul %convert_element_type3A_56, %convert_element_type3A_57, %dot_general3A_58 {dimension_numbers = #tpu.dot_dimension_numbers<[1], [1], [0], [0], [0, 0, 1, 0], [], []>, transpose_lhs_hint = false} : vector<512x128xbf16>, vector<512x128xbf16>, vector<512x512xf32> -> vector<512x512xf32>
    %mul3A_60 = arith.constant 0.124034733 : f32
    %mul3A_61 = vector.broadcast %mul3A_60 : f32 to vector<512x512xf32>
    %mul3A_62 = arith.mulf %dot_general3A_59, %mul3A_61 : vector<512x512xf32>
    %exp3A_63 = math.exp %mul3A_62 : vector<512x512xf32>
    %reduce_sum3A_64 = arith.constant dense<0.000000e+00> : vector<512xf32>
    %reduce_sum3A_65 = vector.multi_reduction <add>, %exp3A_63, %reduce_sum3A_64 [1] : vector<512x512xf32> to vector<512xf32>
    %broadcast_in_dim3A_66 = vector.shape_cast %reduce_sum3A_65 : vector<512xf32> to vector<512x1xf32>
    %div3A_67 = vector.broadcast %broadcast_in_dim3A_66 : vector<512x1xf32> to vector<512x512xf32>
    %div3A_68 = arith.divf %exp3A_63, %div3A_67 : vector<512x512xf32>
    %slice3A_69 = vector.extract_strided_slice %slice3A_18 {offsets = [0, 256], sizes = [512, 128], strides = [1, 1]} : vector<512x1024xf32> to vector<512x128xf32>
    %convert_element_type3A_70 = arith.truncf %div3A_68 : vector<512x512xf32> to vector<512x512xbf16>
    %convert_element_type3A_71 = arith.truncf %slice3A_69 : vector<512x128xf32> to vector<512x128xbf16>
    %dot_general3A_72 = arith.constant dense<0.000000e+00> : vector<512x128xf32>
    %dot_general3A_73 = tpu.matmul %convert_element_type3A_70, %convert_element_type3A_71, %dot_general3A_72 {dimension_numbers = #tpu.dot_dimension_numbers<[1], [0], [0], [1], [0, 0, 1, 1], [], []>, transpose_lhs_hint = false} : vector<512x512xbf16>, vector<512x128xbf16>, vector<512x128xf32> -> vector<512x128xf32>
    %slice3A_74 = vector.extract_strided_slice %slice3A {offsets = [0, 384], sizes = [512, 128], strides = [1, 1]} : vector<512x1024xf32> to vector<512x128xf32>
    %slice3A_75 = vector.extract_strided_slice %slice3A_17 {offsets = [0, 384], sizes = [512, 128], strides = [1, 1]} : vector<512x1024xf32> to vector<512x128xf32>
    %convert_element_type3A_76 = arith.truncf %slice3A_74 : vector<512x128xf32> to vector<512x128xbf16>
    %convert_element_type3A_77 = arith.truncf %slice3A_75 : vector<512x128xf32> to vector<512x128xbf16>
    %dot_general3A_78 = arith.constant dense<0.000000e+00> : vector<512x512xf32>
    %dot_general3A_79 = tpu.matmul %convert_element_type3A_76, %convert_element_type3A_77, %dot_general3A_78 {dimension_numbers = #tpu.dot_dimension_numbers<[1], [1], [0], [0], [0, 0, 1, 0], [], []>, transpose_lhs_hint = false} : vector<512x128xbf16>, vector<512x128xbf16>, vector<512x512xf32> -> vector<512x512xf32>
    %mul3A_80 = arith.constant 0.124034733 : f32
    %mul3A_81 = vector.broadcast %mul3A_80 : f32 to vector<512x512xf32>
    %mul3A_82 = arith.mulf %dot_general3A_79, %mul3A_81 : vector<512x512xf32>
    %exp3A_83 = math.exp %mul3A_82 : vector<512x512xf32>
    %reduce_sum3A_84 = arith.constant dense<0.000000e+00> : vector<512xf32>
    %reduce_sum3A_85 = vector.multi_reduction <add>, %exp3A_83, %reduce_sum3A_84 [1] : vector<512x512xf32> to vector<512xf32>
    %broadcast_in_dim3A_86 = vector.shape_cast %reduce_sum3A_85 : vector<512xf32> to vector<512x1xf32>
    %div3A_87 = vector.broadcast %broadcast_in_dim3A_86 : vector<512x1xf32> to vector<512x512xf32>
    %div3A_88 = arith.divf %exp3A_83, %div3A_87 : vector<512x512xf32>
    %slice3A_89 = vector.extract_strided_slice %slice3A_18 {offsets = [0, 384], sizes = [512, 128], strides = [1, 1]} : vector<512x1024xf32> to vector<512x128xf32>
    %convert_element_type3A_90 = arith.truncf %div3A_88 : vector<512x512xf32> to vector<512x512xbf16>
    %convert_element_type3A_91 = arith.truncf %slice3A_89 : vector<512x128xf32> to vector<512x128xbf16>
    %dot_general3A_92 = arith.constant dense<0.000000e+00> : vector<512x128xf32>
    %dot_general3A_93 = tpu.matmul %convert_element_type3A_90, %convert_element_type3A_91, %dot_general3A_92 {dimension_numbers = #tpu.dot_dimension_numbers<[1], [0], [0], [1], [0, 0, 1, 1], [], []>, transpose_lhs_hint = false} : vector<512x512xbf16>, vector<512x128xbf16>, vector<512x128xf32> -> vector<512x128xf32>
    %slice3A_94 = vector.extract_strided_slice %slice3A {offsets = [0, 512], sizes = [512, 128], strides = [1, 1]} : vector<512x1024xf32> to vector<512x128xf32>
    %slice3A_95 = vector.extract_strided_slice %slice3A_17 {offsets = [0, 512], sizes = [512, 128], strides = [1, 1]} : vector<512x1024xf32> to vector<512x128xf32>
    %convert_element_type3A_96 = arith.truncf %slice3A_94 : vector<512x128xf32> to vector<512x128xbf16>
    %convert_element_type3A_97 = arith.truncf %slice3A_95 : vector<512x128xf32> to vector<512x128xbf16>
    %dot_general3A_98 = arith.constant dense<0.000000e+00> : vector<512x512xf32>
    %dot_general3A_99 = tpu.matmul %convert_element_type3A_96, %convert_element_type3A_97, %dot_general3A_98 {dimension_numbers = #tpu.dot_dimension_numbers<[1], [1], [0], [0], [0, 0, 1, 0], [], []>, transpose_lhs_hint = false} : vector<512x128xbf16>, vector<512x128xbf16>, vector<512x512xf32> -> vector<512x512xf32>
    %mul3A_100 = arith.constant 0.124034733 : f32
    %mul3A_101 = vector.broadcast %mul3A_100 : f32 to vector<512x512xf32>
    %mul3A_102 = arith.mulf %dot_general3A_99, %mul3A_101 : vector<512x512xf32>
    %exp3A_103 = math.exp %mul3A_102 : vector<512x512xf32>
    %reduce_sum3A_104 = arith.constant dense<0.000000e+00> : vector<512xf32>
    %reduce_sum3A_105 = vector.multi_reduction <add>, %exp3A_103, %reduce_sum3A_104 [1] : vector<512x512xf32> to vector<512xf32>
    %broadcast_in_dim3A_106 = vector.shape_cast %reduce_sum3A_105 : vector<512xf32> to vector<512x1xf32>
    %div3A_107 = vector.broadcast %broadcast_in_dim3A_106 : vector<512x1xf32> to vector<512x512xf32>
    %div3A_108 = arith.divf %exp3A_103, %div3A_107 : vector<512x512xf32>
    %slice3A_109 = vector.extract_strided_slice %slice3A_18 {offsets = [0, 512], sizes = [512, 128], strides = [1, 1]} : vector<512x1024xf32> to vector<512x128xf32>
    %convert_element_type3A_110 = arith.truncf %div3A_108 : vector<512x512xf32> to vector<512x512xbf16>
    %convert_element_type3A_111 = arith.truncf %slice3A_109 : vector<512x128xf32> to vector<512x128xbf16>
    %dot_general3A_112 = arith.constant dense<0.000000e+00> : vector<512x128xf32>
    %dot_general3A_113 = tpu.matmul %convert_element_type3A_110, %convert_element_type3A_111, %dot_general3A_112 {dimension_numbers = #tpu.dot_dimension_numbers<[1], [0], [0], [1], [0, 0, 1, 1], [], []>, transpose_lhs_hint = false} : vector<512x512xbf16>, vector<512x128xbf16>, vector<512x128xf32> -> vector<512x128xf32>
    %slice3A_114 = vector.extract_strided_slice %slice3A {offsets = [0, 640], sizes = [512, 128], strides = [1, 1]} : vector<512x1024xf32> to vector<512x128xf32>
    %slice3A_115 = vector.extract_strided_slice %slice3A_17 {offsets = [0, 640], sizes = [512, 128], strides = [1, 1]} : vector<512x1024xf32> to vector<512x128xf32>
    %convert_element_type3A_116 = arith.truncf %slice3A_114 : vector<512x128xf32> to vector<512x128xbf16>
    %convert_element_type3A_117 = arith.truncf %slice3A_115 : vector<512x128xf32> to vector<512x128xbf16>
    %dot_general3A_118 = arith.constant dense<0.000000e+00> : vector<512x512xf32>
    %dot_general3A_119 = tpu.matmul %convert_element_type3A_116, %convert_element_type3A_117, %dot_general3A_118 {dimension_numbers = #tpu.dot_dimension_numbers<[1], [1], [0], [0], [0, 0, 1, 0], [], []>, transpose_lhs_hint = false} : vector<512x128xbf16>, vector<512x128xbf16>, vector<512x512xf32> -> vector<512x512xf32>
    %mul3A_120 = arith.constant 0.124034733 : f32
    %mul3A_121 = vector.broadcast %mul3A_120 : f32 to vector<512x512xf32>
    %mul3A_122 = arith.mulf %dot_general3A_119, %mul3A_121 : vector<512x512xf32>
    %exp3A_123 = math.exp %mul3A_122 : vector<512x512xf32>
    %reduce_sum3A_124 = arith.constant dense<0.000000e+00> : vector<512xf32>
    %reduce_sum3A_125 = vector.multi_reduction <add>, %exp3A_123, %reduce_sum3A_124 [1] : vector<512x512xf32> to vector<512xf32>
    %broadcast_in_dim3A_126 = vector.shape_cast %reduce_sum3A_125 : vector<512xf32> to vector<512x1xf32>
    %div3A_127 = vector.broadcast %broadcast_in_dim3A_126 : vector<512x1xf32> to vector<512x512xf32>
    %div3A_128 = arith.divf %exp3A_123, %div3A_127 : vector<512x512xf32>
    %slice3A_129 = vector.extract_strided_slice %slice3A_18 {offsets = [0, 640], sizes = [512, 128], strides = [1, 1]} : vector<512x1024xf32> to vector<512x128xf32>
    %convert_element_type3A_130 = arith.truncf %div3A_128 : vector<512x512xf32> to vector<512x512xbf16>
    %convert_element_type3A_131 = arith.truncf %slice3A_129 : vector<512x128xf32> to vector<512x128xbf16>
    %dot_general3A_132 = arith.constant dense<0.000000e+00> : vector<512x128xf32>
    %dot_general3A_133 = tpu.matmul %convert_element_type3A_130, %convert_element_type3A_131, %dot_general3A_132 {dimension_numbers = #tpu.dot_dimension_numbers<[1], [0], [0], [1], [0, 0, 1, 1], [], []>, transpose_lhs_hint = false} : vector<512x512xbf16>, vector<512x128xbf16>, vector<512x128xf32> -> vector<512x128xf32>
    %slice3A_134 = vector.extract_strided_slice %slice3A {offsets = [0, 768], sizes = [512, 128], strides = [1, 1]} : vector<512x1024xf32> to vector<512x128xf32>
    %slice3A_135 = vector.extract_strided_slice %slice3A_17 {offsets = [0, 768], sizes = [512, 128], strides = [1, 1]} : vector<512x1024xf32> to vector<512x128xf32>
    %convert_element_type3A_136 = arith.truncf %slice3A_134 : vector<512x128xf32> to vector<512x128xbf16>
    %convert_element_type3A_137 = arith.truncf %slice3A_135 : vector<512x128xf32> to vector<512x128xbf16>
    %dot_general3A_138 = arith.constant dense<0.000000e+00> : vector<512x512xf32>
    %dot_general3A_139 = tpu.matmul %convert_element_type3A_136, %convert_element_type3A_137, %dot_general3A_138 {dimension_numbers = #tpu.dot_dimension_numbers<[1], [1], [0], [0], [0, 0, 1, 0], [], []>, transpose_lhs_hint = false} : vector<512x128xbf16>, vector<512x128xbf16>, vector<512x512xf32> -> vector<512x512xf32>
    %mul3A_140 = arith.constant 0.124034733 : f32
    %mul3A_141 = vector.broadcast %mul3A_140 : f32 to vector<512x512xf32>
    %mul3A_142 = arith.mulf %dot_general3A_139, %mul3A_141 : vector<512x512xf32>
    %exp3A_143 = math.exp %mul3A_142 : vector<512x512xf32>
    %reduce_sum3A_144 = arith.constant dense<0.000000e+00> : vector<512xf32>
    %reduce_sum3A_145 = vector.multi_reduction <add>, %exp3A_143, %reduce_sum3A_144 [1] : vector<512x512xf32> to vector<512xf32>
    %broadcast_in_dim3A_146 = vector.shape_cast %reduce_sum3A_145 : vector<512xf32> to vector<512x1xf32>
    %div3A_147 = vector.broadcast %broadcast_in_dim3A_146 : vector<512x1xf32> to vector<512x512xf32>
    %div3A_148 = arith.divf %exp3A_143, %div3A_147 : vector<512x512xf32>
    %slice3A_149 = vector.extract_strided_slice %slice3A_18 {offsets = [0, 768], sizes = [512, 128], strides = [1, 1]} : vector<512x1024xf32> to vector<512x128xf32>
    %convert_element_type3A_150 = arith.truncf %div3A_148 : vector<512x512xf32> to vector<512x512xbf16>
    %convert_element_type3A_151 = arith.truncf %slice3A_149 : vector<512x128xf32> to vector<512x128xbf16>
    %dot_general3A_152 = arith.constant dense<0.000000e+00> : vector<512x128xf32>
    %dot_general3A_153 = tpu.matmul %convert_element_type3A_150, %convert_element_type3A_151, %dot_general3A_152 {dimension_numbers = #tpu.dot_dimension_numbers<[1], [0], [0], [1], [0, 0, 1, 1], [], []>, transpose_lhs_hint = false} : vector<512x512xbf16>, vector<512x128xbf16>, vector<512x128xf32> -> vector<512x128xf32>
    %slice3A_154 = vector.extract_strided_slice %slice3A {offsets = [0, 896], sizes = [512, 128], strides = [1, 1]} : vector<512x1024xf32> to vector<512x128xf32>
    %slice3A_155 = vector.extract_strided_slice %slice3A_17 {offsets = [0, 896], sizes = [512, 128], strides = [1, 1]} : vector<512x1024xf32> to vector<512x128xf32>
    %convert_element_type3A_156 = arith.truncf %slice3A_154 : vector<512x128xf32> to vector<512x128xbf16>
    %convert_element_type3A_157 = arith.truncf %slice3A_155 : vector<512x128xf32> to vector<512x128xbf16>
    %dot_general3A_158 = arith.constant dense<0.000000e+00> : vector<512x512xf32>
    %dot_general3A_159 = tpu.matmul %convert_element_type3A_156, %convert_element_type3A_157, %dot_general3A_158 {dimension_numbers = #tpu.dot_dimension_numbers<[1], [1], [0], [0], [0, 0, 1, 0], [], []>, transpose_lhs_hint = false} : vector<512x128xbf16>, vector<512x128xbf16>, vector<512x512xf32> -> vector<512x512xf32>
    %mul3A_160 = arith.constant 0.124034733 : f32
    %mul3A_161 = vector.broadcast %mul3A_160 : f32 to vector<512x512xf32>
    %mul3A_162 = arith.mulf %dot_general3A_159, %mul3A_161 : vector<512x512xf32>
    %exp3A_163 = math.exp %mul3A_162 : vector<512x512xf32>
    %reduce_sum3A_164 = arith.constant dense<0.000000e+00> : vector<512xf32>
    %reduce_sum3A_165 = vector.multi_reduction <add>, %exp3A_163, %reduce_sum3A_164 [1] : vector<512x512xf32> to vector<512xf32>
    %broadcast_in_dim3A_166 = vector.shape_cast %reduce_sum3A_165 : vector<512xf32> to vector<512x1xf32>
    %div3A_167 = vector.broadcast %broadcast_in_dim3A_166 : vector<512x1xf32> to vector<512x512xf32>
    %div3A_168 = arith.divf %exp3A_163, %div3A_167 : vector<512x512xf32>
    %slice3A_169 = vector.extract_strided_slice %slice3A_18 {offsets = [0, 896], sizes = [512, 128], strides = [1, 1]} : vector<512x1024xf32> to vector<512x128xf32>
    %convert_element_type3A_170 = arith.truncf %div3A_168 : vector<512x512xf32> to vector<512x512xbf16>
    %convert_element_type3A_171 = arith.truncf %slice3A_169 : vector<512x128xf32> to vector<512x128xbf16>
    %dot_general3A_172 = arith.constant dense<0.000000e+00> : vector<512x128xf32>
    %dot_general3A_173 = tpu.matmul %convert_element_type3A_170, %convert_element_type3A_171, %dot_general3A_172 {dimension_numbers = #tpu.dot_dimension_numbers<[1], [0], [0], [1], [0, 0, 1, 1], [], []>, transpose_lhs_hint = false} : vector<512x512xbf16>, vector<512x128xbf16>, vector<512x128xf32> -> vector<512x128xf32>
    %concatenate3A = tpu.concatenate %dot_general3A_33, %dot_general3A_53, %dot_general3A_73, %dot_general3A_93, %dot_general3A_113, %dot_general3A_133, %dot_general3A_153, %dot_general3A_173 in 1 : vector<512x128xf32>, vector<512x128xf32>, vector<512x128xf32>, vector<512x128xf32>, vector<512x128xf32>, vector<512x128xf32>, vector<512x128xf32>, vector<512x128xf32> -> vector<512x1024xf32>
    %get3A_174 = arith.constant 0 : index
    %get3A_175 = arith.constant 0 : index
    %get3A_176 = vector.load %arg7[%get3A_174, %get3A_175] : memref<520x1024xbf16, #tpu.memory_space<vmem>>, vector<520x1024xbf16>
    %convert_element_type3A_177 = arith.truncf %concatenate3A : vector<512x1024xf32> to vector<512x1024xbf16>
    %dot_general3A_178 = arith.constant dense<0.000000e+00> : vector<512x520xf32>
    %dot_general3A_179 = tpu.matmul %convert_element_type3A_177, %get3A_176, %dot_general3A_178 {dimension_numbers = #tpu.dot_dimension_numbers<[1], [1], [0], [0], [0, 0, 1, 0], [], []>, transpose_lhs_hint = false} : vector<512x1024xbf16>, vector<520x1024xbf16>, vector<512x520xf32> -> vector<512x520xf32>
    %get3A_180 = arith.constant 0 : index
    %get3A_181 = arith.constant 0 : index
    %get3A_182 = vector.load %arg8[%get3A_180, %get3A_181] : memref<8x520xf32, #tpu.memory_space<vmem>>, vector<1x520xf32>
    %add3A_183 = vector.broadcast %get3A_182 : vector<1x520xf32> to vector<512x520xf32>
    %add3A_184 = arith.addf %dot_general3A_179, %add3A_183 : vector<512x520xf32>
    %add3A_185 = arith.addf %get3A_3, %add3A_184 : vector<512x520xf32>
    %get3A_186 = arith.constant 0 : index
    %get3A_187 = arith.constant 0 : index
    %get3A_188 = vector.load %arg9[%get3A_186, %get3A_187] : memref<8x520xf32, #tpu.memory_space<vmem>>, vector<1x520xf32>
    %get3A_189 = arith.constant 0 : index
    %get3A_190 = arith.constant 0 : index
    %get3A_191 = vector.load %arg10[%get3A_189, %get3A_190] : memref<8x520xf32, #tpu.memory_space<vmem>>, vector<1x520xf32>
    %reduce_sum3A_192 = arith.constant dense<0.000000e+00> : vector<512xf32>
    %reduce_sum3A_193 = vector.multi_reduction <add>, %add3A_185, %reduce_sum3A_192 [1] : vector<512x520xf32> to vector<512xf32>
    %broadcast_in_dim3A_194 = vector.shape_cast %reduce_sum3A_193 : vector<512xf32> to vector<512x1xf32>
    %div3A_195 = arith.constant 5.200000e+02 : f32
    %div3A_196 = vector.broadcast %div3A_195 : f32 to vector<512x1xf32>
    %div3A_197 = arith.divf %broadcast_in_dim3A_194, %div3A_196 : vector<512x1xf32>
    %sub3A = vector.broadcast %div3A_197 : vector<512x1xf32> to vector<512x520xf32>
    %sub3A_198 = arith.subf %add3A_185, %sub3A : vector<512x520xf32>
    %mul3A_199 = arith.mulf %sub3A_198, %sub3A_198 : vector<512x520xf32>
    %reduce_sum3A_200 = arith.constant dense<0.000000e+00> : vector<512xf32>
    %reduce_sum3A_201 = vector.multi_reduction <add>, %mul3A_199, %reduce_sum3A_200 [1] : vector<512x520xf32> to vector<512xf32>
    %broadcast_in_dim3A_202 = vector.shape_cast %reduce_sum3A_201 : vector<512xf32> to vector<512x1xf32>
    %div3A_203 = arith.constant 5.190000e+02 : f32
    %div3A_204 = vector.broadcast %div3A_203 : f32 to vector<512x1xf32>
    %div3A_205 = arith.divf %broadcast_in_dim3A_202, %div3A_204 : vector<512x1xf32>
    %mul3A_206 = vector.broadcast %get3A_188 : vector<1x520xf32> to vector<512x520xf32>
    %mul3A_207 = arith.mulf %mul3A_206, %sub3A_198 : vector<512x520xf32>
    %sqrt3A = math.sqrt %div3A_205 : vector<512x1xf32>
    %add3A_208 = arith.constant 9.99999997E-7 : f32
    %add3A_209 = vector.broadcast %add3A_208 : f32 to vector<512x1xf32>
    %add3A_210 = arith.addf %sqrt3A, %add3A_209 : vector<512x1xf32>
    %div3A_211 = vector.broadcast %add3A_210 : vector<512x1xf32> to vector<512x520xf32>
    %div3A_212 = arith.divf %mul3A_207, %div3A_211 : vector<512x520xf32>
    %add3A_213 = vector.broadcast %get3A_191 : vector<1x520xf32> to vector<512x520xf32>
    %add3A_214 = arith.addf %div3A_212, %add3A_213 : vector<512x520xf32>
    %get3A_215 = arith.constant 0 : index
    %get3A_216 = arith.constant 0 : index
    %get3A_217 = vector.load %arg11[%get3A_215, %get3A_216] : memref<2080x520xbf16, #tpu.memory_space<vmem>>, vector<2080x520xbf16>
    %convert_element_type3A_218 = arith.truncf %add3A_214 : vector<512x520xf32> to vector<512x520xbf16>
    %dot_general3A_219 = arith.constant dense<0.000000e+00> : vector<512x2080xf32>
    %dot_general3A_220 = tpu.matmul %convert_element_type3A_218, %get3A_217, %dot_general3A_219 {dimension_numbers = #tpu.dot_dimension_numbers<[1], [1], [0], [0], [0, 0, 1, 0], [], []>, transpose_lhs_hint = false} : vector<512x520xbf16>, vector<2080x520xbf16>, vector<512x2080xf32> -> vector<512x2080xf32>
    %get3A_221 = arith.constant 0 : index
    %get3A_222 = arith.constant 0 : index
    %get3A_223 = vector.load %arg12[%get3A_221, %get3A_222] : memref<8x2080xf32, #tpu.memory_space<vmem>>, vector<1x2080xf32>
    %add3A_224 = vector.broadcast %get3A_223 : vector<1x2080xf32> to vector<512x2080xf32>
    %add3A_225 = arith.addf %dot_general3A_220, %add3A_224 : vector<512x2080xf32>
    %max3A = arith.constant 0.000000e+00 : f32
    %max3A_226 = vector.broadcast %max3A : f32 to vector<512x2080xf32>
    %max3A_227 = arith.maximumf %add3A_225, %max3A_226 : vector<512x2080xf32>
    %get3A_228 = arith.constant 0 : index
    %get3A_229 = arith.constant 0 : index
    %get3A_230 = vector.load %arg13[%get3A_228, %get3A_229] : memref<520x2080xbf16, #tpu.memory_space<vmem>>, vector<520x2080xbf16>
    %convert_element_type3A_231 = arith.truncf %max3A_227 : vector<512x2080xf32> to vector<512x2080xbf16>
    %dot_general3A_232 = arith.constant dense<0.000000e+00> : vector<512x520xf32>
    %dot_general3A_233 = tpu.matmul %convert_element_type3A_231, %get3A_230, %dot_general3A_232 {dimension_numbers = #tpu.dot_dimension_numbers<[1], [1], [0], [0], [0, 0, 1, 0], [], []>, transpose_lhs_hint = false} : vector<512x2080xbf16>, vector<520x2080xbf16>, vector<512x520xf32> -> vector<512x520xf32>
    %get3A_234 = arith.constant 0 : index
    %get3A_235 = arith.constant 0 : index
    %get3A_236 = vector.load %arg14[%get3A_234, %get3A_235] : memref<8x520xf32, #tpu.memory_space<vmem>>, vector<1x520xf32>
    %add3A_237 = vector.broadcast %get3A_236 : vector<1x520xf32> to vector<512x520xf32>
    %add3A_238 = arith.addf %dot_general3A_233, %add3A_237 : vector<512x520xf32>
    %add3A_239 = arith.addf %add3A_214, %add3A_238 : vector<512x520xf32>
    %get3A_240 = arith.constant 0 : index
    %get3A_241 = arith.constant 0 : index
    %get3A_242 = vector.load %arg15[%get3A_240, %get3A_241] : memref<8x520xf32, #tpu.memory_space<vmem>>, vector<1x520xf32>
    %get3A_243 = arith.constant 0 : index
    %get3A_244 = arith.constant 0 : index
    %get3A_245 = vector.load %arg16[%get3A_243, %get3A_244] : memref<8x520xf32, #tpu.memory_space<vmem>>, vector<1x520xf32>
    %reduce_sum3A_246 = arith.constant dense<0.000000e+00> : vector<512xf32>
    %reduce_sum3A_247 = vector.multi_reduction <add>, %add3A_239, %reduce_sum3A_246 [1] : vector<512x520xf32> to vector<512xf32>
    %broadcast_in_dim3A_248 = vector.shape_cast %reduce_sum3A_247 : vector<512xf32> to vector<512x1xf32>
    %div3A_249 = arith.constant 5.200000e+02 : f32
    %div3A_250 = vector.broadcast %div3A_249 : f32 to vector<512x1xf32>
    %div3A_251 = arith.divf %broadcast_in_dim3A_248, %div3A_250 : vector<512x1xf32>
    %sub3A_252 = vector.broadcast %div3A_251 : vector<512x1xf32> to vector<512x520xf32>
    %sub3A_253 = arith.subf %add3A_239, %sub3A_252 : vector<512x520xf32>
    %mul3A_254 = arith.mulf %sub3A_253, %sub3A_253 : vector<512x520xf32>
    %reduce_sum3A_255 = arith.constant dense<0.000000e+00> : vector<512xf32>
    %reduce_sum3A_256 = vector.multi_reduction <add>, %mul3A_254, %reduce_sum3A_255 [1] : vector<512x520xf32> to vector<512xf32>
    %broadcast_in_dim3A_257 = vector.shape_cast %reduce_sum3A_256 : vector<512xf32> to vector<512x1xf32>
    %div3A_258 = arith.constant 5.190000e+02 : f32
    %div3A_259 = vector.broadcast %div3A_258 : f32 to vector<512x1xf32>
    %div3A_260 = arith.divf %broadcast_in_dim3A_257, %div3A_259 : vector<512x1xf32>
    %mul3A_261 = vector.broadcast %get3A_242 : vector<1x520xf32> to vector<512x520xf32>
    %mul3A_262 = arith.mulf %mul3A_261, %sub3A_253 : vector<512x520xf32>
    %sqrt3A_263 = math.sqrt %div3A_260 : vector<512x1xf32>
    %add3A_264 = arith.constant 9.99999997E-7 : f32
    %add3A_265 = vector.broadcast %add3A_264 : f32 to vector<512x1xf32>
    %add3A_266 = arith.addf %sqrt3A_263, %add3A_265 : vector<512x1xf32>
    %div3A_267 = vector.broadcast %add3A_266 : vector<512x1xf32> to vector<512x520xf32>
    %div3A_268 = arith.divf %mul3A_262, %div3A_267 : vector<512x520xf32>
    %add3A_269 = vector.broadcast %get3A_245 : vector<1x520xf32> to vector<512x520xf32>
    %add3A_270 = arith.addf %div3A_268, %add3A_269 : vector<512x520xf32>
    %swap3A = arith.constant 0 : index
    %swap3A_271 = arith.constant 0 : index
    %swap3A_272 = arith.constant 0 : index
    %swap3A_273 = vector.load %arg28[%swap3A, %swap3A_271, %swap3A_272] : memref<1x512x520xf32, #tpu.memory_space<vmem>>, vector<1x512x520xf32>
    %swap3A_274 = vector.shape_cast %swap3A_273 : vector<1x512x520xf32> to vector<512x520xf32>
    %swap3A_275 = vector.shape_cast %add3A_270 : vector<512x520xf32> to vector<1x512x520xf32>
    tpu.vector_store %arg28[%swap3A, %swap3A_271, %swap3A_272], %swap3A_275 {strides = array<i32>} : memref<1x512x520xf32, #tpu.memory_space<vmem>>, vector<1x512x520xf32>,
    %get3A_276 = arith.constant 0 : index
    %get3A_277 = arith.constant 0 : index
    %get3A_278 = vector.load %arg17[%get3A_276, %get3A_277] : memref<8x520xbf16, #tpu.memory_space<vmem>>, vector<8x520xbf16>
    %convert_element_type3A_279 = arith.truncf %add3A_270 : vector<512x520xf32> to vector<512x520xbf16>
    %dot_general3A_280 = arith.constant dense<0.000000e+00> : vector<512x8xf32>
    %dot_general3A_281 = tpu.matmul %convert_element_type3A_279, %get3A_278, %dot_general3A_280 {dimension_numbers = #tpu.dot_dimension_numbers<[1], [1], [0], [0], [0, 0, 1, 0], [], []>, transpose_lhs_hint = false} : vector<512x520xbf16>, vector<8x520xbf16>, vector<512x8xf32> -> vector<512x8xf32>
    %get3A_282 = arith.constant 0 : index
    %get3A_283 = arith.constant 0 : index
    %get3A_284 = vector.load %arg18[%get3A_282, %get3A_283] : memref<8x8xbf16, #tpu.memory_space<vmem>>, vector<8x8xbf16>
    %convert_element_type3A_285 = arith.truncf %get3A_8 : vector<512x8xf32> to vector<512x8xbf16>
    %dot_general3A_286 = arith.constant dense<0.000000e+00> : vector<512x8xf32>
    %dot_general3A_287 = tpu.matmul %convert_element_type3A_285, %get3A_284, %dot_general3A_286 {dimension_numbers = #tpu.dot_dimension_numbers<[1], [1], [0], [0], [0, 0, 1, 0], [], []>, transpose_lhs_hint = false} : vector<512x8xbf16>, vector<8x8xbf16>, vector<512x8xf32> -> vector<512x8xf32>
    %add3A_288 = arith.addf %dot_general3A_281, %dot_general3A_287 : vector<512x8xf32>
    %get3A_289 = arith.constant 0 : index
    %get3A_290 = arith.constant 0 : index
    %get3A_291 = vector.load %arg19[%get3A_289, %get3A_290] : memref<8x8xf32, #tpu.memory_space<vmem>>, vector<1x8xf32>
    %add3A_292 = vector.broadcast %get3A_291 : vector<1x8xf32> to vector<512x8xf32>
    %add3A_293 = arith.addf %add3A_288, %add3A_292 : vector<512x8xf32>
    %get3A_294 = arith.constant 0 : index
    %get3A_295 = arith.constant 0 : index
    %get3A_296 = vector.load %arg20[%get3A_294, %get3A_295] : memref<260x520xbf16, #tpu.memory_space<vmem>>, vector<260x520xbf16>
    %convert_element_type3A_297 = arith.truncf %add3A_270 : vector<512x520xf32> to vector<512x520xbf16>
    %dot_general3A_298 = arith.constant dense<0.000000e+00> : vector<512x260xf32>
    %dot_general3A_299 = tpu.matmul %convert_element_type3A_297, %get3A_296, %dot_general3A_298 {dimension_numbers = #tpu.dot_dimension_numbers<[1], [1], [0], [0], [0, 0, 1, 0], [], []>, transpose_lhs_hint = false} : vector<512x520xbf16>, vector<260x520xbf16>, vector<512x260xf32> -> vector<512x260xf32>
    %get3A_300 = arith.constant 0 : index
    %get3A_301 = arith.constant 0 : index
    %get3A_302 = vector.load %arg21[%get3A_300, %get3A_301] : memref<8x260xf32, #tpu.memory_space<vmem>>, vector<1x260xf32>
    %add3A_303 = vector.broadcast %get3A_302 : vector<1x260xf32> to vector<512x260xf32>
    %add3A_304 = arith.addf %dot_general3A_299, %add3A_303 : vector<512x260xf32>
    %max3A_305 = arith.constant 0.000000e+00 : f32
    %max3A_306 = vector.broadcast %max3A_305 : f32 to vector<512x260xf32>
    %max3A_307 = arith.maximumf %add3A_304, %max3A_306 : vector<512x260xf32>
    %get3A_308 = arith.constant 0 : index
    %get3A_309 = arith.constant 0 : index
    %get3A_310 = vector.load %arg22[%get3A_308, %get3A_309] : memref<8x260xf32, #tpu.memory_space<vmem>>, vector<1x260xf32>
    %mul3A_311 = vector.broadcast %get3A_310 : vector<1x260xf32> to vector<512x260xf32>
    %mul3A_312 = arith.mulf %max3A_307, %mul3A_311 : vector<512x260xf32>
    %reduce_sum3A_313 = arith.constant dense<0.000000e+00> : vector<512xf32>
    %reduce_sum3A_314 = vector.multi_reduction <add>, %mul3A_312, %reduce_sum3A_313 [1] : vector<512x260xf32> to vector<512xf32>
    %broadcast_in_dim3A_315 = vector.shape_cast %reduce_sum3A_314 : vector<512xf32> to vector<512x1xf32>
    %get3A_316 = arith.constant 0 : index
    %get3A_317 = arith.constant 0 : index
    %get3A_318 = vector.load %arg23[%get3A_316, %get3A_317] : memref<8x8xf32, #tpu.memory_space<vmem>>, vector<1x1xf32>
    %add3A_319 = vector.broadcast %get3A_318 : vector<1x1xf32> to vector<512x1xf32>
    %add3A_320 = arith.addf %broadcast_in_dim3A_315, %add3A_319 : vector<512x1xf32>
    %get3A_321 = arith.constant 0 : index
    %get3A_322 = arith.constant 0 : index
    %get3A_323 = vector.load %arg24[%get3A_321, %get3A_322] : memref<260x520xbf16, #tpu.memory_space<vmem>>, vector<260x520xbf16>
    %convert_element_type3A_324 = arith.truncf %add3A_270 : vector<512x520xf32> to vector<512x520xbf16>
    %dot_general3A_325 = arith.constant dense<0.000000e+00> : vector<512x260xf32>
    %dot_general3A_326 = tpu.matmul %convert_element_type3A_324, %get3A_323, %dot_general3A_325 {dimension_numbers = #tpu.dot_dimension_numbers<[1], [1], [0], [0], [0, 0, 1, 0], [], []>, transpose_lhs_hint = false} : vector<512x520xbf16>, vector<260x520xbf16>, vector<512x260xf32> -> vector<512x260xf32>
    %get3A_327 = arith.constant 0 : index
    %get3A_328 = arith.constant 0 : index
    %get3A_329 = vector.load %arg25[%get3A_327, %get3A_328] : memref<8x260xf32, #tpu.memory_space<vmem>>, vector<1x260xf32>
    %add3A_330 = vector.broadcast %get3A_329 : vector<1x260xf32> to vector<512x260xf32>
    %add3A_331 = arith.addf %dot_general3A_326, %add3A_330 : vector<512x260xf32>
    %max3A_332 = arith.constant 0.000000e+00 : f32
    %max3A_333 = vector.broadcast %max3A_332 : f32 to vector<512x260xf32>
    %max3A_334 = arith.maximumf %add3A_331, %max3A_333 : vector<512x260xf32>
    %get3A_335 = arith.constant 0 : index
    %get3A_336 = arith.constant 0 : index
    %get3A_337 = vector.load %arg26[%get3A_335, %get3A_336] : memref<8x260xf32, #tpu.memory_space<vmem>>, vector<1x260xf32>
    %mul3A_338 = vector.broadcast %get3A_337 : vector<1x260xf32> to vector<512x260xf32>
    %mul3A_339 = arith.mulf %max3A_334, %mul3A_338 : vector<512x260xf32>
    %reduce_sum3A_340 = arith.constant dense<0.000000e+00> : vector<512xf32>
    %reduce_sum3A_341 = vector.multi_reduction <add>, %mul3A_339, %reduce_sum3A_340 [1] : vector<512x260xf32> to vector<512xf32>
    %broadcast_in_dim3A_342 = vector.shape_cast %reduce_sum3A_341 : vector<512xf32> to vector<512x1xf32>
    %get3A_343 = arith.constant 0 : index
    %get3A_344 = arith.constant 0 : index
    %get3A_345 = vector.load %arg27[%get3A_343, %get3A_344] : memref<8x8xf32, #tpu.memory_space<vmem>>, vector<1x1xf32>
    %add3A_346 = vector.broadcast %get3A_345 : vector<1x1xf32> to vector<512x1xf32>
    %add3A_347 = arith.addf %broadcast_in_dim3A_342, %add3A_346 : vector<512x1xf32>
    %logistic3A = arith.negf %add3A_347 : vector<512x1xf32>
    %logistic3A_348 = math.exp %logistic3A : vector<512x1xf32>
    %logistic3A_349 = arith.constant 1.000000e+00 : f32
    %logistic3A_350 = vector.broadcast %logistic3A_349 : f32 to vector<512x1xf32>
    %logistic3A_351 = arith.addf %logistic3A_350, %logistic3A_348 : vector<512x1xf32>
    %logistic3A_352 = arith.divf %logistic3A_350, %logistic3A_351 : vector<512x1xf32>
    %get3A_353 = arith.constant 0 : index
    %get3A_354 = arith.constant 0 : index
    %get3A_355 = arith.constant 0 : index
    %get3A_356 = vector.load %arg3[%get3A_353, %get3A_354, %get3A_355] : memref<1x512x8xf32, #tpu.memory_space<vmem>>, vector<1x512x1xf32>
    %get3A_357 = vector.shape_cast %get3A_356 : vector<1x512x1xf32> to vector<512x1xf32>
    %get3A_358 = arith.constant 0 : index
    %get3A_359 = arith.constant 0 : index
    %get3A_360 = arith.constant 0 : index
    %get3A_361 = vector.load %arg4[%get3A_358, %get3A_359, %get3A_360] : memref<1x8x512xf32, #tpu.memory_space<vmem>>, vector<1x1x512xf32>
    %get3A_362 = vector.shape_cast %get3A_361 : vector<1x1x512xf32> to vector<1x512xf32>
    %eq3A = vector.broadcast %get3A_357 : vector<512x1xf32> to vector<512x512xf32>
    %eq3A_363 = vector.broadcast %get3A_362 : vector<1x512xf32> to vector<512x512xf32>
    %eq3A_364 = arith.cmpf oeq, %eq3A, %eq3A_363 : vector<512x512xf32>
    %convert_element_type3A_365 = arith.extui %eq3A_364 : vector<512x512xi1> to vector<512x512xi32>
    %convert_element_type3A_366 = arith.sitofp %convert_element_type3A_365 : vector<512x512xi32> to vector<512x512xf32>
    %mul3A_367 = vector.broadcast %add3A_320 : vector<512x1xf32> to vector<512x512xf32>
    %mul3A_368 = arith.mulf %mul3A_367, %convert_element_type3A_366 : vector<512x512xf32>
    %exp3A_369 = math.exp %mul3A_368 : vector<512x512xf32>
    %reduce_sum3A_370 = arith.constant dense<0.000000e+00> : vector<512xf32>
    %reduce_sum3A_371 = vector.multi_reduction <add>, %exp3A_369, %reduce_sum3A_370 [0] : vector<512x512xf32> to vector<512xf32>
    %broadcast_in_dim3A_372 = vector.shape_cast %reduce_sum3A_371 : vector<512xf32> to vector<1x512xf32>
    %div3A_373 = vector.broadcast %broadcast_in_dim3A_372 : vector<1x512xf32> to vector<512x512xf32>
    %div3A_374 = arith.divf %exp3A_369, %div3A_373 : vector<512x512xf32>
    %convert_element_type3A_375 = arith.truncf %div3A_374 : vector<512x512xf32> to vector<512x512xbf16>
    %convert_element_type3A_376 = arith.truncf %add3A_293 : vector<512x8xf32> to vector<512x8xbf16>
    %dot_general3A_377 = arith.constant dense<0.000000e+00> : vector<512x8xf32>
    %dot_general3A_378 = tpu.matmul %convert_element_type3A_375, %convert_element_type3A_376, %dot_general3A_377 {dimension_numbers = #tpu.dot_dimension_numbers<[0], [0], [1], [1], [0, 1, 1, 1], [], []>, transpose_lhs_hint = false} : vector<512x512xbf16>, vector<512x8xbf16>, vector<512x8xf32> -> vector<512x8xf32>
    %mul3A_379 = vector.broadcast %logistic3A_352 : vector<512x1xf32> to vector<512x8xf32>
    %mul3A_380 = arith.mulf %mul3A_379, %add3A_293 : vector<512x8xf32>
    %sub3A_381 = arith.constant 1.000000e+00 : f32
    %sub3A_382 = vector.broadcast %sub3A_381 : f32 to vector<512x1xf32>
    %sub3A_383 = arith.subf %sub3A_382, %logistic3A_352 : vector<512x1xf32>
    %mul3A_384 = vector.broadcast %sub3A_383 : vector<512x1xf32> to vector<512x8xf32>
    %mul3A_385 = arith.mulf %mul3A_384, %dot_general3A_378 : vector<512x8xf32>
    %add3A_386 = arith.addf %mul3A_380, %mul3A_385 : vector<512x8xf32>
    %swap3A_387 = arith.constant 0 : index
    %swap3A_388 = arith.constant 0 : index
    %swap3A_389 = arith.constant 0 : index
    %swap3A_390 = vector.load %arg29[%swap3A_387, %swap3A_388, %swap3A_389] : memref<1x512x8xf32, #tpu.memory_space<vmem>>, vector<1x512x8xf32>
    %swap3A_391 = vector.shape_cast %swap3A_390 : vector<1x512x8xf32> to vector<512x8xf32>
    %swap3A_392 = vector.shape_cast %add3A_386 : vector<512x8xf32> to vector<1x512x8xf32>
    tpu.vector_store %arg29[%swap3A_387, %swap3A_388, %swap3A_389], %swap3A_392 {strides = array<i32>} : memref<1x512x8xf32, #tpu.memory_space<vmem>>, vector<1x512x8xf32>,
    return
  }
  func.func @transform_0(%arg0: i32) -> (i32, i32, i32) {
    %c0_i32 = arith.constant 0 : i32
    %c0_i32_0 = arith.constant 0 : i32
    %c0_i32_1 = arith.constant 0 : i32
    return %arg0, %c0_i32, %c0_i32_0 : i32, i32, i32
  }
  func.func @transform_1(%arg0: i32) -> (i32, i32, i32) {
    %c0_i32 = arith.constant 0 : i32
    %c0_i32_0 = arith.constant 0 : i32
    %c0_i32_1 = arith.constant 0 : i32
    return %arg0, %c0_i32, %c0_i32_0 : i32, i32, i32
  }
  func.func @transform_2(%arg0: i32) -> (i32, i32, i32) {
    %c0_i32 = arith.constant 0 : i32
    %c0_i32_0 = arith.constant 0 : i32
    %c0_i32_1 = arith.constant 0 : i32
    return %arg0, %c0_i32, %c0_i32_0 : i32, i32, i32
  }
  func.func @transform_3(%arg0: i32) -> (i32, i32, i32) {
    %c0_i32 = arith.constant 0 : i32
    %c0_i32_0 = arith.constant 0 : i32
    %c0_i32_1 = arith.constant 0 : i32
    return %arg0, %c0_i32, %c0_i32_0 : i32, i32, i32
  }
  func.func @transform_4(%arg0: i32) -> (i32, i32) {
    %c0_i32 = arith.constant 0 : i32
    %c0_i32_0 = arith.constant 0 : i32
    %c0_i32_1 = arith.constant 0 : i32
    return %c0_i32, %c0_i32_0 : i32, i32
  }
  func.func @transform_5(%arg0: i32) -> (i32, i32) {
    %c0_i32 = arith.constant 0 : i32
    %c0_i32_0 = arith.constant 0 : i32
    %c0_i32_1 = arith.constant 0 : i32
    return %c0_i32, %c0_i32_0 : i32, i32
  }
  func.func @transform_6(%arg0: i32) -> (i32, i32) {
    %c0_i32 = arith.constant 0 : i32
    %c0_i32_0 = arith.constant 0 : i32
    %c0_i32_1 = arith.constant 0 : i32
    return %c0_i32, %c0_i32_0 : i32, i32
  }
  func.func @transform_7(%arg0: i32) -> (i32, i32) {
    %c0_i32 = arith.constant 0 : i32
    %c0_i32_0 = arith.constant 0 : i32
    %c0_i32_1 = arith.constant 0 : i32
    return %c0_i32, %c0_i32_0 : i32, i32
  }
  func.func @transform_8(%arg0: i32) -> (i32, i32) {
    %c0_i32 = arith.constant 0 : i32
    %c0_i32_0 = arith.constant 0 : i32
    %c0_i32_1 = arith.constant 0 : i32
    return %c0_i32, %c0_i32_0 : i32, i32
  }
  func.func @transform_9(%arg0: i32) -> (i32, i32) {
    %c0_i32 = arith.constant 0 : i32
    %c0_i32_0 = arith.constant 0 : i32
    %c0_i32_1 = arith.constant 0 : i32
    return %c0_i32, %c0_i32_0 : i32, i32
  }
  func.func @transform_10(%arg0: i32) -> (i32, i32) {
    %c0_i32 = arith.constant 0 : i32
    %c0_i32_0 = arith.constant 0 : i32
    %c0_i32_1 = arith.constant 0 : i32
    return %c0_i32, %c0_i32_0 : i32, i32
  }
  func.func @transform_11(%arg0: i32) -> (i32, i32) {
    %c0_i32 = arith.constant 0 : i32
    %c0_i32_0 = arith.constant 0 : i32
    %c0_i32_1 = arith.constant 0 : i32
    return %c0_i32, %c0_i32_0 : i32, i32
  }
  func.func @transform_12(%arg0: i32) -> (i32, i32) {
    %c0_i32 = arith.constant 0 : i32
    %c0_i32_0 = arith.constant 0 : i32
    %c0_i32_1 = arith.constant 0 : i32
    return %c0_i32, %c0_i32_0 : i32, i32
  }
  func.func @transform_13(%arg0: i32) -> (i32, i32) {
    %c0_i32 = arith.constant 0 : i32
    %c0_i32_0 = arith.constant 0 : i32
    %c0_i32_1 = arith.constant 0 : i32
    return %c0_i32, %c0_i32_0 : i32, i32
  }
  func.func @transform_14(%arg0: i32) -> (i32, i32) {
    %c0_i32 = arith.constant 0 : i32
    %c0_i32_0 = arith.constant 0 : i32
    %c0_i32_1 = arith.constant 0 : i32
    return %c0_i32, %c0_i32_0 : i32, i32
  }
  func.func @transform_15(%arg0: i32) -> (i32, i32) {
    %c0_i32 = arith.constant 0 : i32
    %c0_i32_0 = arith.constant 0 : i32
    %c0_i32_1 = arith.constant 0 : i32
    return %c0_i32, %c0_i32_0 : i32, i32
  }
  func.func @transform_16(%arg0: i32) -> (i32, i32) {
    %c0_i32 = arith.constant 0 : i32
    %c0_i32_0 = arith.constant 0 : i32
    %c0_i32_1 = arith.constant 0 : i32
    return %c0_i32, %c0_i32_0 : i32, i32
  }
  func.func @transform_17(%arg0: i32) -> (i32, i32) {
    %c0_i32 = arith.constant 0 : i32
    %c0_i32_0 = arith.constant 0 : i32
    %c0_i32_1 = arith.constant 0 : i32
    return %c0_i32, %c0_i32_0 : i32, i32
  }
  func.func @transform_18(%arg0: i32) -> (i32, i32) {
    %c0_i32 = arith.constant 0 : i32
    %c0_i32_0 = arith.constant 0 : i32
    %c0_i32_1 = arith.constant 0 : i32
    return %c0_i32, %c0_i32_0 : i32, i32
  }
  func.func @transform_19(%arg0: i32) -> (i32, i32) {
    %c0_i32 = arith.constant 0 : i32
    %c0_i32_0 = arith.constant 0 : i32
    %c0_i32_1 = arith.constant 0 : i32
    return %c0_i32, %c0_i32_0 : i32, i32
  }
  func.func @transform_20(%arg0: i32) -> (i32, i32) {
    %c0_i32 = arith.constant 0 : i32
    %c0_i32_0 = arith.constant 0 : i32
    %c0_i32_1 = arith.constant 0 : i32
    return %c0_i32, %c0_i32_0 : i32, i32
  }
  func.func @transform_21(%arg0: i32) -> (i32, i32) {
    %c0_i32 = arith.constant 0 : i32
    %c0_i32_0 = arith.constant 0 : i32
    %c0_i32_1 = arith.constant 0 : i32
    return %c0_i32, %c0_i32_0 : i32, i32
  }
  func.func @transform_22(%arg0: i32) -> (i32, i32) {
    %c0_i32 = arith.constant 0 : i32
    %c0_i32_0 = arith.constant 0 : i32
    %c0_i32_1 = arith.constant 0 : i32
    return %c0_i32, %c0_i32_0 : i32, i32
  }
  func.func @transform_23(%arg0: i32) -> (i32, i32) {
    %c0_i32 = arith.constant 0 : i32
    %c0_i32_0 = arith.constant 0 : i32
    %c0_i32_1 = arith.constant 0 : i32
    return %c0_i32, %c0_i32_0 : i32, i32
  }
  func.func @transform_24(%arg0: i32) -> (i32, i32) {
    %c0_i32 = arith.constant 0 : i32
    %c0_i32_0 = arith.constant 0 : i32
    %c0_i32_1 = arith.constant 0 : i32
    return %c0_i32, %c0_i32_0 : i32, i32
  }
  func.func @transform_25(%arg0: i32) -> (i32, i32) {
    %c0_i32 = arith.constant 0 : i32
    %c0_i32_0 = arith.constant 0 : i32
    %c0_i32_1 = arith.constant 0 : i32
    return %c0_i32, %c0_i32_0 : i32, i32
  }
  func.func @transform_26(%arg0: i32) -> (i32, i32) {
    %c0_i32 = arith.constant 0 : i32
    %c0_i32_0 = arith.constant 0 : i32
    %c0_i32_1 = arith.constant 0 : i32
    return %c0_i32, %c0_i32_0 : i32, i32
  }
  func.func @transform_27(%arg0: i32) -> (i32, i32, i32) {
    %c0_i32 = arith.constant 0 : i32
    %c0_i32_0 = arith.constant 0 : i32
    %c0_i32_1 = arith.constant 0 : i32
    return %arg0, %c0_i32, %c0_i32_0 : i32, i32, i32
  }
  func.func @transform_28(%arg0: i32) -> (i32, i32, i32) {
    %c0_i32 = arith.constant 0 : i32
    %c0_i32_0 = arith.constant 0 : i32
    %c0_i32_1 = arith.constant 0 : i32
    return %arg0, %c0_i32, %c0_i32_0 : i32, i32, i32
  }
}

</mosaic_0001>

<sc_bundles>
// kernel: kernel.9.cloned.1.call-start
scs
__scs_entry_jumppad:
0x0: {  	(pc) =	sbr.rel $0x88, $3  }
0x1: {  	(tag) =	ssettag $0x0;
	lr =	simm.s32 $0x1  }
0x2: {  	[smem:$0x3EFF] =	sst lr;
	_ =	strace $0xD0000000  }
0x3: {  	_ = 	snop  }
0x4: {  	_ = 	snop  }
0x5: {  	_ = 	snop  }
0x6: {  	_ = 	snop  }
0x7: {  	_ = 	snop  }
__scs_overlays_trampoline_lowered:
0x8: {  	[smem:$0x3F0E] =	sst s0  }
0x9: {  	[smem:$0x3F0F] =	sst s1  }
0xa: {  	[smem:$0x3F10] =	sst s2  }
0xb: {  	[smem:$0x3F11] =	sst s3  }
0xc: {  	[smem:$0x3F12] =	sst s4  }
0xd: {  	[smem:$0x3F13] =	sst s5  }
0xe: {  	[smem:$0x3F14] =	sst s6  }
0xf: {  	[smem:$0x3F15] =	sst s7  }
0x10: {  	[smem:$0x3F16] =	sst s8  }
0x11: {  	[smem:$0x3F17] =	sst s9;
	s0 =	simm.s32 @!p0 $0x0  }
0x12: {  	s1 =	sld [smem:$0x3EFD];
	s0 =	simm.s32 @p0 $0x1  }
0x13: {  	[smem:$0x3F18] =	sst s0;
	s0 =	simm.s32 @!p1 $0x0  }
0x14: {  	s2 =	sld [smem:$0x3EFC];
	s0 =	simm.s32 @p1 $0x1  }
0x15: {  	[smem:$0x3F19] =	sst s0;
	s0 =	simm.s32 @!p2 $0x0  }
0x16: {  	s3 =	sld [smem:$0x3FDB];
	s0 =	simm.s32 @p2 $0x1  }
0x17: {  	s4 =	simm.s32 $0x1BF5;
	[smem:$0x3F1B] =	sst s0  }
0x18: {  	s0 =	sld [smem:$0x3EFE];
	_ =	swait.ge [sflag:s4], $0x0  }
0x19: {  	s7 =	sld [smem:$0x3EFF]  }
0x1a: {  	s8 =	sadd.s32 $0xFFFFE003, lr  }
0x1b: {  	s9 =	sadd.s32 $0xFFFFFEF7, lr;
	s5 =	simm.s32 $0xFFFFFFFF;
	p2 =	slt.u32 s8, $0xFFFFF086  }
0x1c: {  	p1 =	slt.u32 s9, $0xF7A;
	s5 =	simm.s32 @!p2 $0x0  }
0x1d: {  	s5 =	simm.s32 @p1 $0x1;
	p0 =	seq.s32 s7, s2  }
0x1e: {  	s7 =	smul.u32 @!p0 $0xF7A, s2;
	p2 =	seq.s32 @!p0 s5, $0x0  }
0x1f: {  	s9 =	smul.u32 $0xF7A, s1;
	s8 =	simm.s32 @!p0 $0x1BF5;
	p2 =	por !p2, p0  }
0x20: {  	[sflag:s8] =	ssyncset.s32 @!p0 $0xFFFFF086;
	s6 =	sadd.s32 @!p0 s3, s7;
	s7 =	simm.s32 @!p0 $0x108  }
0x21: {  	s3 =	sadd.s32 s3, s9;
	s6 =	sadd.s32 @!p0 $0x88, s6;
	s7 =	simm.s32 @p2 $0x1082  }
0x22: {  	[simem:s7], [sflag:s8] =	dma.local @!p0 [hbm:s6], $0xF7A  }
0x23: {  	s9 =	sor.u32 $0xD0000000, s2;
	s6 =	simm.s32 $0x108;
	_ =	swait.ge @!p0 [sflag:s8], $0x0  }
0x24: {  	s3 =	sadd.s32 $0x88, s3;
	s6 =	simm.s32 @!p1 $0x1082;
	[sflag:s4] =	ssyncset.s32 $0xFFFFF086  }
0x25: {  	[simem:s6], [sflag:s4] =	dma.local [hbm:s3], $0xF7A  }
0x26: {  	[smem:$0x3EFF] =	sst s1;
	(tag) =	ssettag s2;
	_ =	strace s9  }
0x27: {  	s1 =	sld [smem:$0x3F0F]  }
0x28: {  	s2 =	sld [smem:$0x3F10]  }
0x29: {  	s4 =	sld [smem:$0x3F12]  }
0x2a: {  	p0 =	seq.s32 s5, $0x0;
	s5 =	sld [smem:$0x3F13]  }
0x2b: {  	s6 =	sld [smem:$0x3F14]  }
0x2c: {  	s7 =	sld [smem:$0x3F15]  }
0x2d: {  	s3 =	simm.s32 $0x108;
	s8 =	sld [smem:$0x3F16]  }
0x2e: {  	s3 =	simm.s32 @!p0 $0x1082;
	s9 =	sld [smem:$0x3F17]  }
0x2f: {  	lr =	sadd.s32 s0, s3;
	s0 =	sld [smem:$0x3F0E]  }
0x30: {  	s3 =	sld [smem:$0x3F11]  }
0x31: {  	[smem:$0x3F1A] =	sst s10  }
0x32: {  	s10 =	sld [smem:$0x3F18];
	_ =	sdelay $0x3  }
0x33: {  	p0 =	seq.s32 s10, $0x1;
	s10 =	sld [smem:$0x3F1A];
	_ =	sdelay $0x3  }
0x34: {  	[smem:$0x3F1A] =	sst s10  }
0x35: {  	s10 =	sld [smem:$0x3F19];
	_ =	sdelay $0x3  }
0x36: {  	p1 =	seq.s32 s10, $0x1;
	s10 =	sld [smem:$0x3F1A];
	_ =	sdelay $0x3  }
0x37: {  	[smem:$0x3F1A] =	sst s10  }
0x38: {  	s10 =	sld [smem:$0x3F1B]  }
0x39: {  	_ = 	snop;
	(pc) =	sbr.ind lr, $3  }
0x3a: {  	_ = 	snop  }
0x3b: {  	_ = 	snop  }
0x3c: {  	p2 =	seq.s32 s10, $0x1;
	s10 =	sld [smem:$0x3F1A]  }
0x3d: {  	_ =	shalt  }
0x3e: {  	_ =	shalt  }
0x3f: {  	_ =	shalt  }
0x40: {  	_ =	shalt  }
0x41: {  	_ =	shalt  }
0x42: {  	_ =	shalt  }
0x43: {  	_ =	shalt  }
0x44: {  	_ =	shalt  }
0x45: {  	_ =	shalt  }
0x46: {  	_ =	shalt  }
0x47: {  	_ =	shalt  }
0x48: {  	_ =	shalt  }
0x49: {  	_ =	shalt  }
0x4a: {  	_ =	shalt  }
0x4b: {  	_ =	shalt  }
0x4c: {  	_ =	shalt  }
0x4d: {  	_ =	shalt  }
0x4e: {  	_ =	shalt  }
0x4f: {  	_ =	shalt  }
0x50: {  	_ =	shalt  }
0x51: {  	_ =	shalt  }
0x52: {  	_ =	shalt  }
0x53: {  	_ =	shalt  }
0x54: {  	_ =	shalt  }
0x55: {  	_ =	shalt  }
0x56: {  	_ =	shalt  }
0x57: {  	_ =	shalt  }
0x58: {  	_ =	shalt  }
0x59: {  	_ =	shalt  }
0x5a: {  	_ =	shalt  }
0x5b: {  	_ =	shalt  }
0x5c: {  	_ =	shalt  }
0x5d: {  	_ =	shalt  }
0x5e: {  	_ =	shalt  }
0x5f: {  	_ =	shalt  }
0x60: {  	_ =	shalt  }
0x61: {  	_ =	shalt  }
0x62: {  	_ =	shalt  }
0x63: {  	_ =	shalt  }
0x64: {  	_ =	shalt  }
0x65: {  	_ =	shalt  }
0x66: {  	_ =	shalt  }
0x67: {  	_ =	shalt  }
0x68: {  	_ =	shalt  }
0x69: {  	_ =	shalt  }
0x6a: {  	_ =	shalt  }
0x6b: {  	_ =	shalt  }
0x6c: {  	_ =	shalt  }
0x6d: {  	_ =	shalt  }
0x6e: {  	_ =	shalt  }
0x6f: {  	_ =	shalt  }
0x70: {  	_ =	shalt  }
0x71: {  	_ =	shalt  }
0x72: {  	_ =	shalt  }
0x73: {  	_ =	shalt  }
0x74: {  	_ =	shalt  }
0x75: {  	_ =	shalt  }
0x76: {  	_ =	shalt  }
0x77: {  	_ =	shalt  }
0x78: {  	_ =	shalt  }
0x79: {  	_ =	shalt  }
0x7a: {  	_ =	shalt  }
0x7b: {  	_ =	shalt  }
0x7c: {  	_ =	shalt  }
0x7d: {  	_ =	shalt  }
0x7e: {  	_ =	shalt  }
0x7f: {  	_ =	shalt  }
0x80: {  	_ =	shalt  }
0x81: {  	_ =	shalt  }
0x82: {  	_ =	shalt  }
0x83: {  	_ =	shalt  }
0x84: {  	_ =	shalt  }
0x85: {  	_ =	shalt  }
0x86: {  	_ =	shalt  }
0x87: {  	_ =	shalt  }
.Lfunc_end0:
.L_simem_size_0:
called_computation_lowered:
.L_overlay_start_0:
0x88: {  	s2 =	sld [smem:$0x3FD9]  }
0x89: {  	s3 =	sld [smem:$0x3FFE];
	_ =	sdelay $0x1  }
0x8a: {  	s1 =	srdreg.scid  }
0x8b: {  	s0 =	sand.u32 $0x1, s1  }
0x8c: {  	s17 =	sshll.u32 s0, $0xA;
	s2 =	sadd.s32 s3, s2  }
0x8d: {  	s2 =	sadd.s32 s2, s17  }
0x8e: {  	[smem:$0x3F26] =	sst s2  }
0x8f: {  	_ = 	snop  }
0x90: {  	s2 =	sld [smem:$0x3FC5]  }
0x91: {  	s18 =	sld [smem:$0x3FC4]  }
0x92: {  	s4 =	sld [smem:$0x3FD0];
	(tm) =	ssettm $0x1  }
0x93: {  	s5 =	sld [smem:$0x3FFB];
	_ =	sdelay $0x3  }
0x94: {  	_ =	strace s5  }
0x95: {  	s5 =	sld [smem:$0x3FFC];
	_ =	sdelay $0x3  }
0x96: {  	_ =	strace s5  }
0x97: {  	s5 =	sld [smem:$0x3FFD];
	_ =	sdelay $0x3  }
0x98: {  	_ =	strace s5  }
0x99: {  	_ =	strace $0x8FFFFFFF  }
0x9a: {  	s19 =	sld [smem:$0x3FDB];
	_ =	sdelay $0x1  }
0x9b: {  	s6 =	simm.s32 $_scs_section_size  }
0x9c: {  	s7 =	simm.s32 $_size__tile_overlayer_lowered;
	s8 =	simm.s32 $_tile_overlayer_lowered  }
0x9d: {  	s22 =	simm.s32 $0x1BFF;
	s21 =	sshll.u32 s8, $0x1;
	s5 =	sadd.s32 s6, s19  }
0x9e: {  	s9 =	simm.s32 $0x0;
	s20 =	sshll.u32 s7, $0x1;
	s7 =	sadd.s32 s21, s5  }
0x9f: {  	[timem:s9], [sflag:s22] =	dma.local [hbm:s7], s20  }
0xa0: {  	_ =	swait.ge [sflag:s22], s20  }
0xa1: {  	s6 =	ssub.s32 $0x0, s20;
	[sflag:s22] =	ssyncset.done $0x0  }
0xa2: {  	[sflag:s22] =	ssyncadd.s32 s6;
	_ =	sdelay $0x1  }
0xa3: {  	s23 =	simm.s32 $0x1B8B  }
0xa4: {  	_ =	swait.ge [sflag:s23], $0x1  }
0xa5: {  	[sflag:s23] =	ssyncset.done $0x0  }
0xa6: {  	s25 =	simm.s32 $0x1B8E;
	s24 =	sld [smem:$0x3FFE];
	[sflag:s23] =	ssyncadd.s32 $0xFFFFFFFF  }
0xa7: {  	s26 =	simm.s32 $execute0_lowered;
	[smem:$0x3FD2] =	sst s25  }
0xa8: {  	s7 =	sshll.u32 s26, $0x1;
	_ =	strace $0x80000046;
	[dreg:$0x1] =	wrdreg $0xFFFFFFFF  }
0xa9: {  	s28 =	simm.s32 $_size_execute0_lowered;
	s5 =	sadd.s32 s5, s7;
	[dreg:$0x0] =	wrdreg $0x0  }
0xaa: {  	s7 =	sshll.u32 s28, $0x1;
	[dreg:$0x2] =	wrdreg s5  }
0xab: {  	[dreg:$0x3] =	wrdreg s7  }
0xac: {  	[dreg:$0x4] =	wrdreg $0xC0  }
0xad: {  	_ =	task [dreg:s9], $0x5FFFF  }
0xae: {  	[dreg:$0x1] =	wrdreg $0xFFFFFFFF  }
0xaf: {  	[dreg:$0x0] =	wrdreg $0x60  }
0xb0: {  	[dreg:$0x2] =	wrdreg s4  }
0xb1: {  	[dreg:$0x3] =	wrdreg s24  }
0xb2: {  	[dreg:$0x4] =	wrdreg s18  }
0xb3: {  	[dreg:$0x5] =	wrdreg s2  }
0xb4: {  	[dreg:$0x6] =	wrdreg $0x9  }
0xb5: {  	_ =	task.clear_ibuf [dreg:s9], $0x7FFFF;
	_ =	strace $0x90000046  }
0xb6: {  	s29 =	simm.s32 $0x9;
	_ =	strace $0x80000048  }
0xb7: {  	_ =	swait.ge [sflag:s29], $0x1  }
0xb8: {  	[sflag:s29] =	ssyncadd.s32 $0xFFFFFFFF  }
0xb9: {  	_ =	strace $0x90000048  }
0xba: {  	_ =	sfence  }
0xbb: {  	s30 =	sld [smem:$0x0];
	_ =	sdelay $0x2  }
0xbc: {  	s31 =	sshll.u32 s1, $0xD;
	s1 =	sshrl.u32 s1, $0x2  }
0xbd: {  	s3 =	sand.u32 $0x4000, s31;
	s1 =	sadd.s32 s1, s30  }
0xbe: {  	s0 =	sor.u32 s3, s0;
	s1 =	sshll.u32 s1, $0x11  }
0xbf: {  	s0 =	sor.u32 s1, s0  }
0xc0: {  	s0 =	sadd.s32 $0x8F2B, s0  }
0xc1: {  	[sflag:s0] =	ssyncadd.remote.s32 $0x1  }
0xc2: {  	_ =	sfence.sel $0xFFFF  }
0xc3: {  	[dreg:$0x0] =	wrdreg $0xFFFFFFFF;
	(pc) =	sbr.abs _section_cstart, $3  }
0xc4: {  	[dreg:$0x1] =	wrdreg $0xFFFFFFFF  }
0xc5: {  	_ =	task.clear_ibuf [dreg:s9], $0x2FFFF;
	_ =	strace $0x9FFFFFFF  }
0xc6: {  	(tm) =	ssettm $0x7FFFFFFF  }
0xc7: {  	_ =	shalt  }
tec
execute0_lowered:
.L_overlay_start_1:
0x0: {  	(tag) =	ssettag $0x1  }
0x1: {  	s5 =	rddreg [dreg:$0x0]  }
0x2: {  	s6 =	rddreg [dreg:$0x1]  }
0x3: {  	s1 =	rddreg [dreg:$0x2]  }
0x4: {  	s3 =	rddreg [dreg:$0x3]  }
0x5: {  	s0 =	rddreg [dreg:$0x4]  }
0x6: {  	s7 =	srdreg.scid;
	s4 =	simm.s32 $0x0;
	s2 =	stileid.u32  }
0x7: {  	s12 =	simm.s32 $0x8200;
	s13 =	simm.s32 $0x1;
	s14 =	simm.s32 $0x2  }
0x8: {  	s15 =	simm.s32 $0x0;
	s7 =	sand.u32 $0x1, s7;
	[smem:$0x7FF] =	sst s4  }
0x9: {  	s8 =	sshll.u32 s2, $0x9;
	s9 =	sshll.u32 s7, $0x8;
	s7 =	ssub.s32 $0x2, s7  }
0xa: {  	_ =	strace $0x80000047;
	s8 =	sor.u32 s9, s8;
	s31 =	sshrl.u32 s7, $0x1  }
0xb: {  	s9 =	sshrl.u32 s8, $0x3;
	s8 =	sshll.u32 s8, $0x4;
	s11 =	ssub.s32 s7, s31  }
0xc: {  	s10 =	sadd.s32 s9, s6;
	s8 =	sadd.s32 s8, s6;
	s5 =	sadd.s32 s5, s9  }
0xd: {  	s9 =	simm.s32 $0x3;
	s6 =	sadd.s32 $0x18800, s10;
	s7 =	sadd.s32 $0x18C00, s8  }
0xe: {  	s8 =	smax.u32 s11, $0x1;
	s10 =	simm.s32 $0x100;
	s11 =	simm.s32 $0x200  }
.LBB2_1:
0xf: {  	[tilespmem:s4], [sflag:$0x3] =	stream.linear.gather [hbm4b:s5+s4], $0x100, $0x38;
	[tilespmem:$0x10200] =	vst v63  }
0x10: {  	_ =	swait.ge [sflag:s9], $0x100  }
0x11: {  	[sflag:s9] =	ssyncset.done $0x0  }
0x12: {  	[sflag:s9] =	ssyncadd.s32 $0xFFFFFF00  }
0x13: {  	[tilespmem:s10], [sflag:$0x3] =	stream.linear.gather [hbm4b:s6+s4], $0x100, $0x38;
	[tilespmem:$0x10200] =	vst v63  }
0x14: {  	_ =	swait.ge [sflag:s9], $0x100  }
0x15: {  	[sflag:s9] =	ssyncset.done $0x0  }
0x16: {  	[sflag:s9] =	ssyncadd.s32 $0xFFFFFF00  }
0x17: {  	[tilespmem:s11], [sflag:$0x1] =	stream.indirect.gather [hbm4b:s1+s10], $0x80, s4, s10, $0xb8;
	[tilespmem:$0x10200] =	vst v63  }
0x18: {  	_ = 	snop  }
0x19: {  	[tilespmem:s12], [sflag:$0x2] =	stream.indirect.gather [hbm4b:s3+s10], $0x80, s10, s10, $0xb8;
	[tilespmem:$0x10200] =	vst v63  }
0x1a: {  	_ =	swait.ge [sflag:s13], $0x8000  }
0x1b: {  	[sflag:s13] =	ssyncset.done $0x0  }
0x1c: {  	[sflag:s13] =	ssyncadd.s32 $0xFFFF8000  }
0x1d: {  	_ =	swait.ge [sflag:s14], $0x8000  }
0x1e: {  	[sflag:s14] =	ssyncset.done $0x0  }
0x1f: {  	s16 =	simm.s32 $0x0;
	[sflag:s14] =	ssyncadd.s32 $0xFFFF8000  }
0x20: {  	s17 =	simm.s32 $0x40;
	v0 =	vld [tilespmem:s16+$0x8200]  }
.LBB2_2:
0x21: {  	p0 =	sne.s32 s17, $0x1FFC0;
	v1 =	vld [tilespmem:s16+$0x200];
	_ =	sdelay $0x2  }
.Ltmp0:
0x22: {  	(pc) =	sbr.rel @p0 .LBB2_2-.Ltmp0, $4  }
0x23: {  	_ = 	snop  }
0x24: {  	v1 =	vadd.f32 v0, v1  }
0x25: {  	s18 =	sshra.s32 s17, $0x2  }
0x26: {  	s17 =	sadd.s32 $0x40, s17;
	v0 =	vld [tilespmem:s18+$0x8200];
	[tilespmem:s16+$0x200] =	vst v1;
	s16 =	smov.u32 s18  }
0x27: {  	v1 =	vld [tilespmem:s16+$0x200];
	_ =	sdelay $0x4  }
0x28: {  	s15 =	sadd.s32 $0x1, s15;
	v0 =	vadd.f32 v0, v1  }
0x29: {  	p0 =	sne.s32 s15, s8  }
.Ltmp1:
0x2a: {  	[tilespmem:s16+$0x200] =	vst v0;
	(pc) =	sbr.rel @p0 .LBB2_1-.Ltmp1, $4  }
0x2b: {  	[hbm4b:s7+s4] =	stream.linear.scatter [tilespmem:s11], [sflag:$0x3], $0x8000, $0x38;
	[tilespmem:$0x10200] =	vst v63  }
0x2c: {  	_ =	swait.ge [sflag:s9], $0x8000  }
0x2d: {  	[sflag:s9] =	ssyncset.done $0x0  }
0x2e: {  	[sflag:s9] =	ssyncadd.s32 $0xFFFF8000  }
0x2f: {  	_ =	sfence.sel $0x180000  }
0x30: {  	[bflag:$0x0] =	sbarrier.arrive $0xFFFF  }
0x31: {  	p0 =	sne.s32 s2, $0x0;
	_ =	strace $0x90000047  }
0x32: {  	s0 =	sadd.s32 @!p0 $0x100000, s0;
	[bflag:$0x2] =	sbarrier.arrive $0xFFFF  }
0x33: {  	[sflag:s0] =	ssyncadd.tile.s32 @!p0 $0x1;
	_ =	shalt  }
.Lfunc_end2:
_tile_overlayer_lowered:
.L_overlay_start_2:
0x34: {  	(tag) =	ssettag $0x2  }
0x35: {  	s0 =	rddreg [dreg:$0x0];
	s2 =	stileid.u32  }
0x36: {  	s1 =	rddreg [dreg:$0x1];
	p0 =	sne.s32 s2, $0x0  }
0x37: {  	s3 =	rddreg [dreg:$0x2];
	[bflag:$0x3] =	sbarrier.arrive $0xFFFF;
	s2 =	simm.s32 @!p0 $0x1C03  }
0x38: {  	[timem:s3], [sflag:s2] =	dma.local @!p0 [hbm:s0], s1  }
0x39: {  	s0 =	simm.s32 @!p0 $0x3  }
0x3a: {  	_ =	swait.ge @!p0 [sflag:s0], s1  }
0x3b: {  	s1 =	ssub.s32 @!p0 $0x0, s1;
	[sflag:s0] =	ssyncset.done @!p0 $0x0  }
0x3c: {  	[sflag:s0] =	ssyncadd.s32 @!p0 s1  }
0x3d: {  	[bflag:$0x3] =	sbarrier.arrive $0xFFFF  }
0x3e: {  	_ =	shalt  }

</sc_bundles>
